<compile_context>
chip_gen: v7x
topology: tpu7x:2x2x1
jax: 0.10.2.dev20260603
libtpu: 0.0.44.dev20260713+nightly
codegen_flags: <defaults>
</compile_context>

<pallas_src>
import functools
import jax
import jax.numpy as jnp
from jax import lax
from jax.experimental import pallas as pl
from jax.experimental.pallas import tpu as pltpu
from jax.experimental.pallas import tpu_sc as plsc

N = 10000
E = 320000
IN_D = 128
HID = 64
OUT_D = 116
NC, NS = 2, 16
NW = NC * NS
K = 200
CPT = 50
EPT = CPT * K
N_PAD = 10240
RPT = N_PAD // NS
NBUF = 4
DEG_D = 8

_mesh = plsc.VectorSubcoreMesh(
    core_axis_name="c", subcore_axis_name="s", num_cores=NC, num_subcores=NS
)


@functools.partial(
    pl.kernel,
    out_type=jax.ShapeDtypeStruct((NC, N_PAD, DEG_D), jnp.float32),
    mesh=_mesh,
    compiler_params=pltpu.CompilerParams(use_tc_tiling_on_sc=False),
    scratch_types=[
        pltpu.VMEM((EPT,), jnp.int32),
        pltpu.VMEM((K, DEG_D), jnp.float32),
        pltpu.VMEM_SHARED((N_PAD, DEG_D), jnp.float32),
    ],
)
def _deg_kernel(edges, ones_hbm, zeros_hbm, out, dslab, ones_v, acc):
    ci = lax.axis_index("c")
    si = lax.axis_index("s")
    wid = ci * NS + si
    r0 = si * RPT
    pltpu.sync_copy(ones_hbm, ones_v)
    pltpu.sync_copy(edges.at[1, pl.ds(wid * EPT, EPT)], dslab)
    pltpu.sync_copy(zeros_hbm.at[pl.ds(r0, RPT)], acc.at[pl.ds(r0, RPT)])
    plsc.subcore_barrier()

    def body(c, carry):
        pltpu.sync_copy(ones_v, acc.at[dslab.at[pl.ds(c * K, K)]], add=True)
        return carry

    lax.fori_loop(0, CPT, body, 0)
    plsc.subcore_barrier()
    pltpu.sync_copy(acc.at[pl.ds(r0, RPT)], out.at[ci, pl.ds(r0, RPT)])


@functools.partial(
    pl.kernel,
    out_type=jax.ShapeDtypeStruct((NC, N_PAD, HID), jnp.float32),
    mesh=_mesh,
    compiler_params=pltpu.CompilerParams(use_tc_tiling_on_sc=False),
    scratch_types=[
        pltpu.VMEM((EPT,), jnp.int32),
        pltpu.VMEM((EPT,), jnp.int32),
        [pltpu.VMEM((K, HID), jnp.float32)] * NBUF,
        pltpu.VMEM_SHARED((N_PAD, HID), jnp.float32),
        [pltpu.SemaphoreType.DMA] * NBUF,
        [pltpu.SemaphoreType.DMA] * NBUF,
    ],
)
def _prop_kernel(
    table, edges, zeros_hbm, out, sslab, dslab, rows, acc, gsem, ssem
):
    ci = lax.axis_index("c")
    si = lax.axis_index("s")
    wid = ci * NS + si
    r0 = si * RPT
    pltpu.sync_copy(edges.at[0, pl.ds(wid * EPT, EPT)], sslab)
    pltpu.sync_copy(edges.at[1, pl.ds(wid * EPT, EPT)], dslab)
    for b in range(NBUF):
        pltpu.async_copy(
            table.at[sslab.at[pl.ds(b * K, K)]], rows[b], gsem[b]
        )
    pltpu.sync_copy(zeros_hbm.at[pl.ds(r0, RPT)], acc.at[pl.ds(r0, RPT)])
    plsc.subcore_barrier()

    def body(j, carry):
        c0 = NBUF * j
        for b in range(NBUF):

            @pl.when(c0 + b < CPT)
            def _(b=b):
                pltpu.make_async_copy(
                    table.at[sslab.at[pl.ds((c0 + b) * K, K)]],
                    rows[b],
                    gsem[b],
                ).wait()
                pltpu.async_copy(
                    rows[b],
                    acc.at[dslab.at[pl.ds((c0 + b) * K, K)]],
                    ssem[b],
                    add=True,
                )

        for b in range(NBUF):

            @pl.when(c0 + b + NBUF < CPT)
            def _(b=b):
                pltpu.make_async_copy(
                    rows[b],
                    acc.at[dslab.at[pl.ds((c0 + b) * K, K)]],
                    ssem[b],
                ).wait()
                pltpu.async_copy(
                    table.at[sslab.at[pl.ds((c0 + b + NBUF) * K, K)]],
                    rows[b],
                    gsem[b],
                )

        return carry

    lax.fori_loop(0, (CPT + NBUF - 1) // NBUF, body, 0)
    for b in range(NBUF):
        pltpu.make_async_copy(
            rows[b], acc.at[dslab.at[pl.ds((CPT - NBUF + b) * K, K)]], ssem[b]
        ).wait()
    plsc.subcore_barrier()
    pltpu.sync_copy(acc.at[pl.ds(r0, RPT)], out.at[ci, pl.ds(r0, RPT)])


BM = 2000


def _mm1_body(x_ref, w_ref, dg_ref, g_ref, dis_ref):
    deg = 1.0 + dg_ref[0, :, 0:1] + dg_ref[1, :, 0:1]
    dis = lax.rsqrt(deg)
    h = jnp.dot(x_ref[:], w_ref[:], preferred_element_type=jnp.float32)
    g_ref[:] = h * dis
    dis_ref[:] = dis


def _mid_body(g_ref, a_ref, dis_ref, b1_ref, o_ref):
    dis = dis_ref[:]
    z = (g_ref[:] + a_ref[0] + a_ref[1]) * dis + b1_ref[:]
    o_ref[:] = jnp.maximum(z, 0.0) * dis


def _mm2_body(g_ref, a_ref, dis_ref, w_ref, b2_ref, o_ref):
    u = (g_ref[:] + a_ref[0] + a_ref[1]) * dis_ref[:]
    o_ref[:] = (
        jnp.dot(u, w_ref[:], preferred_element_type=jnp.float32) + b2_ref[:]
    )


def kernel(x, edge_index, batch, W1, b1, W2, b2):
    del batch
    ones16 = jnp.ones((K, DEG_D), jnp.float32)
    zeros_deg = jnp.zeros((N_PAD, DEG_D), jnp.float32)
    zeros_hid = jnp.zeros((N_PAD, HID), jnp.float32)

    deg = _deg_kernel(edge_index, ones16, zeros_deg)

    g1, dis = pl.pallas_call(
        _mm1_body,
        grid=(N // BM,),
        in_specs=[
            pl.BlockSpec((BM, IN_D), lambda i: (i, 0)),
            pl.BlockSpec((IN_D, HID), lambda i: (0, 0)),
            pl.BlockSpec((NC, BM, DEG_D), lambda i: (0, i, 0)),
        ],
        out_specs=[
            pl.BlockSpec((BM, HID), lambda i: (i, 0)),
            pl.BlockSpec((BM, 1), lambda i: (i, 0)),
        ],
        out_shape=[
            jax.ShapeDtypeStruct((N, HID), jnp.float32),
            jax.ShapeDtypeStruct((N, 1), jnp.float32),
        ],
    )(x, W1, deg)

    acc1 = _prop_kernel(g1, edge_index, zeros_hid)

    g2 = pl.pallas_call(
        _mid_body,
        grid=(N // BM,),
        in_specs=[
            pl.BlockSpec((BM, HID), lambda i: (i, 0)),
            pl.BlockSpec((NC, BM, HID), lambda i: (0, i, 0)),
            pl.BlockSpec((BM, 1), lambda i: (i, 0)),
            pl.BlockSpec((1, HID), lambda i: (0, 0)),
        ],
        out_specs=pl.BlockSpec((BM, HID), lambda i: (i, 0)),
        out_shape=jax.ShapeDtypeStruct((N, HID), jnp.float32),
    )(g1, acc1, dis, b1.reshape(1, HID))

    acc2 = _prop_kernel(g2, edge_index, zeros_hid)

    out = pl.pallas_call(
        _mm2_body,
        grid=(N // BM,),
        in_specs=[
            pl.BlockSpec((BM, HID), lambda i: (i, 0)),
            pl.BlockSpec((NC, BM, HID), lambda i: (0, i, 0)),
            pl.BlockSpec((BM, 1), lambda i: (i, 0)),
            pl.BlockSpec((HID, OUT_D), lambda i: (0, 0)),
            pl.BlockSpec((1, OUT_D), lambda i: (0, 0)),
        ],
        out_specs=pl.BlockSpec((BM, OUT_D), lambda i: (i, 0)),
        out_shape=jax.ShapeDtypeStruct((N, OUT_D), jnp.float32),
    )(g2, acc2, dis, W2, b2.reshape(1, OUT_D))

    return out

# --- scband reference (transcript-rebuilt; emitter-appended) ---
"""Pipeline reference for scband-gcn-86560770883783 (READ-ONLY COPY).

The authoritative reference and input builder live on the scoring server;
editing this copy changes nothing except your own understanding.
"""

import jax, jax.numpy as jnp
import numpy as np

N_NODES = 10000
N_EDGES = 320000
IN_DIM = 128
HID_DIM = 64
OUT_DIM = 116


def gcn_conv(x, edge_index, W, b, n_nodes):
    # PyG-style GCNConv: x' = D^{-1/2} (A + I) D^{-1/2} (x W) + b
    src = edge_index[0]
    dst = edge_index[1]
    loop = jnp.arange(n_nodes, dtype=src.dtype)
    src = jnp.concatenate([src, loop])
    dst = jnp.concatenate([dst, loop])
    h = x @ W
    ones = jnp.ones(src.shape[0], dtype=h.dtype)
    deg = jax.ops.segment_sum(ones, dst, num_segments=n_nodes)
    deg_inv_sqrt = jnp.where(deg > 0, jax.lax.rsqrt(jnp.maximum(deg, 1e-12)), 0.0)
    norm = deg_inv_sqrt[src] * deg_inv_sqrt[dst]
    msg = h[src] * norm[:, None]
    out = jax.ops.segment_sum(msg, dst, num_segments=n_nodes)
    return out + b


def setup_inputs(seed: int = 0) -> dict:
    key = jax.random.key(seed)
    k1, k2, k3, k4, k5, k6, k7 = jax.random.split(key, 7)
    x = jax.random.normal(k1, (N_NODES, IN_DIM), dtype=jnp.float32)
    edge_index = jax.random.randint(k2, (2, N_EDGES), 0, N_NODES, dtype=jnp.int64 if jax.config.jax_enable_x64 else jnp.int32).astype(jnp.int32)
    batch = jnp.sort(jax.random.randint(k3, (N_NODES,), 0, 64).astype(jnp.int32))
    s1 = 1.0 / np.sqrt(IN_DIM)
    s2 = 1.0 / np.sqrt(HID_DIM)
    W1 = jax.random.uniform(k4, (IN_DIM, HID_DIM), dtype=jnp.float32, minval=-s1, maxval=s1)
    b1 = jnp.zeros((HID_DIM,), dtype=jnp.float32)
    W2 = jax.random.uniform(k5, (HID_DIM, OUT_DIM), dtype=jnp.float32, minval=-s2, maxval=s2)
    b2 = jnp.zeros((OUT_DIM,), dtype=jnp.float32)
    return {"x": x, "edge_index": edge_index, "batch": batch, "W1": W1, "b1": b1, "W2": W2, "b2": b2}


def reference(x, edge_index, batch, W1, b1, W2, b2):
    # Gcn.forward (eval mode: dropout is identity); batch is extracted but unused
    h = gcn_conv(x, edge_index, W1, b1, N_NODES)
    h = jax.nn.relu(h)
    out = gcn_conv(h, edge_index, W2, b2, N_NODES)
    return out

if __name__ == "__main__":
    import jax
    _d = setup_inputs()
    print(jax.jit(kernel)(*tuple(_d.values())))

</pallas_src>

<mosaic_0001>
#map = affine_map<(d0, d1) -> (0, 0)>
#map1 = affine_map<(d0, d1) -> (0, 0, 0)>
module attributes {stable_mosaic.version = 14 : i64} {
  func.func @_deg_kernel(%arg0: i32, %arg1: i32, %arg2: memref<2x320000xi32, #tpu.memory_space<hbm>>, %arg3: memref<200x8xf32, #tpu.memory_space<hbm>>, %arg4: memref<10240x8xf32, #tpu.memory_space<hbm>>, %arg5: memref<2x10240x8xf32, #tpu.memory_space<hbm>>, %arg6: memref<10000xi32, #tpu.memory_space<vmem>>, %arg7: memref<200x8xf32, #tpu.memory_space<vmem>>, %arg8: memref<10240x8xf32, #tpu.memory_space<vmem_shared>>) attributes {dimension_semantics = [#tpu.dimension_semantics<core_parallel>, #tpu.dimension_semantics<subcore_parallel>], iteration_bounds = array<i64: 2, 16>, scalar_prefetch = 0 : i64, scratch_operands = 3 : i64, tpu.core_type = #tpu.core_type<sc_vector_subcore>, window_params = [{transform_indices = #map}, {transform_indices = #map}, {transform_indices = #map}, {transform_indices = #map1}]} {
    %mul3A = arith.constant 16 : i32
    %mul3A_0 = arith.muli %arg0, %mul3A : i32
    %add3A = arith.addi %mul3A_0, %arg1 : i32
    %mul3A_1 = arith.constant 640 : i32
    %mul3A_2 = arith.muli %arg1, %mul3A_1 : i32
    "tpu.region"() ({
      %run_scoped3A_11 = tpu.sem_alloc : memref<!tpu.dma_semaphore, #tpu.memory_space<semaphore_mem>>
      tpu.enqueue_dma source(%arg3 : memref<200x8xf32, #tpu.memory_space<hbm>>) target(%arg7 : memref<200x8xf32, #tpu.memory_space<vmem>>) target_semaphore(%run_scoped3A_11 : memref<!tpu.dma_semaphore, #tpu.memory_space<semaphore_mem>>)
      tpu.wait_dma2 semaphore(%run_scoped3A_11 : memref<!tpu.dma_semaphore, #tpu.memory_space<semaphore_mem>>) src(%arg3 : memref<200x8xf32, #tpu.memory_space<hbm>>) dst(%arg7 : memref<200x8xf32, #tpu.memory_space<vmem>>)
      tpu.yield
    }) : () -> ()
    %mul3A_3 = arith.constant 10000 : i32
    %mul3A_4 = arith.muli %add3A, %mul3A_3 : i32
    %run_scoped3A = arith.constant 1 : i32
    "tpu.region"() ({
      %run_scoped3A_11 = tpu.sem_alloc : memref<!tpu.dma_semaphore, #tpu.memory_space<semaphore_mem>>
      %dma_start3A = tpu.memref_slice %arg2[%run_scoped3A, %mul3A_4] : memref<2x320000xi32, #tpu.memory_space<hbm>> -> memref<1x10000xi32, #tpu.memory_space<hbm>>
      %dma_start3A_12 = tpu.memref_squeeze %dma_start3A : memref<1x10000xi32, #tpu.memory_space<hbm>> -> memref<10000xi32, #tpu.memory_space<hbm>>
      %dma_start3A_13 = tpu.memref_slice %arg2[%run_scoped3A, %mul3A_4] : memref<2x320000xi32, #tpu.memory_space<hbm>> -> memref<1x10000xi32, #tpu.memory_space<hbm>>
      %dma_start3A_14 = tpu.memref_squeeze %dma_start3A_13 : memref<1x10000xi32, #tpu.memory_space<hbm>> -> memref<10000xi32, #tpu.memory_space<hbm>>
      tpu.enqueue_dma source(%dma_start3A_14 : memref<10000xi32, #tpu.memory_space<hbm>>) target(%arg6 : memref<10000xi32, #tpu.memory_space<vmem>>) target_semaphore(%run_scoped3A_11 : memref<!tpu.dma_semaphore, #tpu.memory_space<semaphore_mem>>)
      %dma_wait3A = tpu.memref_slice %arg2[%run_scoped3A, %mul3A_4] : memref<2x320000xi32, #tpu.memory_space<hbm>> -> memref<1x10000xi32, #tpu.memory_space<hbm>>
      %dma_wait3A_15 = tpu.memref_squeeze %dma_wait3A : memref<1x10000xi32, #tpu.memory_space<hbm>> -> memref<10000xi32, #tpu.memory_space<hbm>>
      %dma_wait3A_16 = tpu.memref_slice %arg2[%run_scoped3A, %mul3A_4] : memref<2x320000xi32, #tpu.memory_space<hbm>> -> memref<1x10000xi32, #tpu.memory_space<hbm>>
      %dma_wait3A_17 = tpu.memref_squeeze %dma_wait3A_16 : memref<1x10000xi32, #tpu.memory_space<hbm>> -> memref<10000xi32, #tpu.memory_space<hbm>>
      tpu.wait_dma2 semaphore(%run_scoped3A_11 : memref<!tpu.dma_semaphore, #tpu.memory_space<semaphore_mem>>) src(%dma_wait3A_17 : memref<10000xi32, #tpu.memory_space<hbm>>) dst(%arg6 : memref<10000xi32, #tpu.memory_space<vmem>>)
      tpu.yield
    }) : () -> ()
    "tpu.region"() ({
      %run_scoped3A_11 = tpu.sem_alloc : memref<!tpu.dma_semaphore, #tpu.memory_space<semaphore_mem>>
      %dma_start3A = arith.constant 0 : i32
      %dma_start3A_12 = tpu.memref_slice %arg8[%mul3A_2, %dma_start3A] : memref<10240x8xf32, #tpu.memory_space<vmem_shared>> -> memref<640x8xf32, #tpu.memory_space<vmem_shared>>
      %dma_start3A_13 = arith.constant 0 : i32
      %dma_start3A_14 = tpu.memref_slice %arg4[%mul3A_2, %dma_start3A_13] : memref<10240x8xf32, #tpu.memory_space<hbm>> -> memref<640x8xf32, #tpu.memory_space<hbm>>
      tpu.enqueue_dma source(%dma_start3A_14 : memref<640x8xf32, #tpu.memory_space<hbm>>) target(%dma_start3A_12 : memref<640x8xf32, #tpu.memory_space<vmem_shared>>) target_semaphore(%run_scoped3A_11 : memref<!tpu.dma_semaphore, #tpu.memory_space<semaphore_mem>>)
      %dma_wait3A = arith.constant 0 : i32
      %dma_wait3A_15 = tpu.memref_slice %arg8[%mul3A_2, %dma_wait3A] : memref<10240x8xf32, #tpu.memory_space<vmem_shared>> -> memref<640x8xf32, #tpu.memory_space<vmem_shared>>
      %dma_wait3A_16 = arith.constant 0 : i32
      %dma_wait3A_17 = tpu.memref_slice %arg4[%mul3A_2, %dma_wait3A_16] : memref<10240x8xf32, #tpu.memory_space<hbm>> -> memref<640x8xf32, #tpu.memory_space<hbm>>
      tpu.wait_dma2 semaphore(%run_scoped3A_11 : memref<!tpu.dma_semaphore, #tpu.memory_space<semaphore_mem>>) src(%dma_wait3A_17 : memref<640x8xf32, #tpu.memory_space<hbm>>) dst(%dma_wait3A_15 : memref<640x8xf32, #tpu.memory_space<vmem_shared>>)
      tpu.yield
    }) : () -> ()
    %barrier3A = arith.constant 0 : index
    tpu.barrier barrier_id(%barrier3A)
    %scan3A = arith.constant 0 : i32
    %scan3A_5 = arith.constant 0 : i32
    %scan3A_6 = arith.constant 50 : i32
    %scan3A_7 = arith.addi %scan3A_5, %scan3A_6 : i32
    %scan3A_8 = arith.constant 1 : i32
    scf.for %scan3A_11 = %scan3A_5 to %scan3A_7 step %scan3A_8  : i32 {
      %mul3A_12 = arith.constant 200 : i32
      %mul3A_13 = arith.muli %scan3A_11, %mul3A_12 : i32
      "tpu.region"() ({
        %run_scoped3A_14 = tpu.sem_alloc : memref<!tpu.dma_semaphore, #tpu.memory_space<semaphore_mem>>
        %dma_start3A = tpu.memref_slice %arg6[%mul3A_13] : memref<10000xi32, #tpu.memory_space<vmem>> -> memref<200xi32, #tpu.memory_space<vmem>>
        %dma_start3A_15 = arith.constant 0 : i32
        %dma_start3A_16 = arith.constant 0 : i32
        %dma_start3A_17 = tpu.memref_slice %arg8[%dma_start3A_15, %dma_start3A_16] : memref<10240x8xf32, #tpu.memory_space<vmem_shared>> -> memref<10240x8xf32, #tpu.memory_space<vmem_shared>>
        tpu.enqueue_indirect_dma source(%arg7 : memref<200x8xf32, #tpu.memory_space<vmem>>) target(%dma_start3A_17 : memref<10240x8xf32, #tpu.memory_space<vmem_shared>>) offsets(%dma_start3A : memref<200xi32, #tpu.memory_space<vmem>>) semaphore(%run_scoped3A_14 : memref<!tpu.dma_semaphore, #tpu.memory_space<semaphore_mem>>) {add = true}
        %dma_wait3A = tpu.memref_slice %arg6[%mul3A_13] : memref<10000xi32, #tpu.memory_space<vmem>> -> memref<200xi32, #tpu.memory_space<vmem>>
        %dma_wait3A_18 = arith.constant 0 : i32
        %dma_wait3A_19 = arith.constant 0 : i32
        %dma_wait3A_20 = tpu.memref_slice %arg8[%dma_wait3A_18, %dma_wait3A_19] : memref<10240x8xf32, #tpu.memory_space<vmem_shared>> -> memref<10240x8xf32, #tpu.memory_space<vmem_shared>>
        tpu.wait_indirect_dma semaphore(%run_scoped3A_14 : memref<!tpu.dma_semaphore, #tpu.memory_space<semaphore_mem>>) src(%arg7 : memref<200x8xf32, #tpu.memory_space<vmem>>) dst(%dma_wait3A_20 : memref<10240x8xf32, #tpu.memory_space<vmem_shared>>)
        tpu.yield
      }) : () -> ()
    }
    %scan3A_9 = arith.constant 50 : i32
    %barrier3A_10 = arith.constant 0 : index
    tpu.barrier barrier_id(%barrier3A_10)
    "tpu.region"() ({
      %run_scoped3A_11 = tpu.sem_alloc : memref<!tpu.dma_semaphore, #tpu.memory_space<semaphore_mem>>
      %dma_start3A = arith.constant 0 : i32
      %dma_start3A_12 = tpu.memref_slice %arg5[%arg0, %mul3A_2, %dma_start3A] : memref<2x10240x8xf32, #tpu.memory_space<hbm>> -> memref<1x640x8xf32, #tpu.memory_space<hbm>>
      %dma_start3A_13 = tpu.memref_squeeze %dma_start3A_12 : memref<1x640x8xf32, #tpu.memory_space<hbm>> -> memref<640x8xf32, #tpu.memory_space<hbm>>
      %dma_start3A_14 = arith.constant 0 : i32
      %dma_start3A_15 = tpu.memref_slice %arg8[%mul3A_2, %dma_start3A_14] : memref<10240x8xf32, #tpu.memory_space<vmem_shared>> -> memref<640x8xf32, #tpu.memory_space<vmem_shared>>
      tpu.enqueue_dma source(%dma_start3A_15 : memref<640x8xf32, #tpu.memory_space<vmem_shared>>) target(%dma_start3A_13 : memref<640x8xf32, #tpu.memory_space<hbm>>) target_semaphore(%run_scoped3A_11 : memref<!tpu.dma_semaphore, #tpu.memory_space<semaphore_mem>>)
      %dma_wait3A = arith.constant 0 : i32
      %dma_wait3A_16 = tpu.memref_slice %arg5[%arg0, %mul3A_2, %dma_wait3A] : memref<2x10240x8xf32, #tpu.memory_space<hbm>> -> memref<1x640x8xf32, #tpu.memory_space<hbm>>
      %dma_wait3A_17 = tpu.memref_squeeze %dma_wait3A_16 : memref<1x640x8xf32, #tpu.memory_space<hbm>> -> memref<640x8xf32, #tpu.memory_space<hbm>>
      %dma_wait3A_18 = arith.constant 0 : i32
      %dma_wait3A_19 = tpu.memref_slice %arg8[%mul3A_2, %dma_wait3A_18] : memref<10240x8xf32, #tpu.memory_space<vmem_shared>> -> memref<640x8xf32, #tpu.memory_space<vmem_shared>>
      tpu.wait_dma2 semaphore(%run_scoped3A_11 : memref<!tpu.dma_semaphore, #tpu.memory_space<semaphore_mem>>) src(%dma_wait3A_19 : memref<640x8xf32, #tpu.memory_space<vmem_shared>>) dst(%dma_wait3A_17 : memref<640x8xf32, #tpu.memory_space<hbm>>)
      tpu.yield
    }) : () -> ()
    return
  }
}

#map = affine_map<(d0, d1) -> (0, 0)>
#map1 = affine_map<(d0, d1) -> (0, 0, 0)>
module attributes {stable_mosaic.version = 14 : i64} {
  func.func @_prop_kernel(%arg0: i32, %arg1: i32, %arg2: memref<10000x64xf32, #tpu.memory_space<hbm>>, %arg3: memref<2x320000xi32, #tpu.memory_space<hbm>>, %arg4: memref<10240x64xf32, #tpu.memory_space<hbm>>, %arg5: memref<2x10240x64xf32, #tpu.memory_space<hbm>>, %arg6: memref<10000xi32, #tpu.memory_space<vmem>>, %arg7: memref<10000xi32, #tpu.memory_space<vmem>>, %arg8: memref<200x64xf32, #tpu.memory_space<vmem>>, %arg9: memref<200x64xf32, #tpu.memory_space<vmem>>, %arg10: memref<200x64xf32, #tpu.memory_space<vmem>>, %arg11: memref<200x64xf32, #tpu.memory_space<vmem>>, %arg12: memref<10240x64xf32, #tpu.memory_space<vmem_shared>>, %arg13: memref<!tpu.dma_semaphore, #tpu.memory_space<semaphore_mem>>, %arg14: memref<!tpu.dma_semaphore, #tpu.memory_space<semaphore_mem>>, %arg15: memref<!tpu.dma_semaphore, #tpu.memory_space<semaphore_mem>>, %arg16: memref<!tpu.dma_semaphore, #tpu.memory_space<semaphore_mem>>, %arg17: memref<!tpu.dma_semaphore, #tpu.memory_space<semaphore_mem>>, %arg18: memref<!tpu.dma_semaphore, #tpu.memory_space<semaphore_mem>>, %arg19: memref<!tpu.dma_semaphore, #tpu.memory_space<semaphore_mem>>, %arg20: memref<!tpu.dma_semaphore, #tpu.memory_space<semaphore_mem>>) attributes {dimension_semantics = [#tpu.dimension_semantics<core_parallel>, #tpu.dimension_semantics<subcore_parallel>], iteration_bounds = array<i64: 2, 16>, scalar_prefetch = 0 : i64, scratch_operands = 15 : i64, tpu.core_type = #tpu.core_type<sc_vector_subcore>, window_params = [{transform_indices = #map}, {transform_indices = #map}, {transform_indices = #map}, {transform_indices = #map1}]} {
    %mul3A = arith.constant 16 : i32
    %mul3A_0 = arith.muli %arg0, %mul3A : i32
    %add3A = arith.addi %mul3A_0, %arg1 : i32
    %mul3A_1 = arith.constant 640 : i32
    %mul3A_2 = arith.muli %arg1, %mul3A_1 : i32
    %mul3A_3 = arith.constant 10000 : i32
    %mul3A_4 = arith.muli %add3A, %mul3A_3 : i32
    %run_scoped3A = arith.constant 0 : i32
    "tpu.region"() ({
      %run_scoped3A_52 = tpu.sem_alloc : memref<!tpu.dma_semaphore, #tpu.memory_space<semaphore_mem>>
      %dma_start3A_53 = tpu.memref_slice %arg3[%run_scoped3A, %mul3A_4] : memref<2x320000xi32, #tpu.memory_space<hbm>> -> memref<1x10000xi32, #tpu.memory_space<hbm>>
      %dma_start3A_54 = tpu.memref_squeeze %dma_start3A_53 : memref<1x10000xi32, #tpu.memory_space<hbm>> -> memref<10000xi32, #tpu.memory_space<hbm>>
      %dma_start3A_55 = tpu.memref_slice %arg3[%run_scoped3A, %mul3A_4] : memref<2x320000xi32, #tpu.memory_space<hbm>> -> memref<1x10000xi32, #tpu.memory_space<hbm>>
      %dma_start3A_56 = tpu.memref_squeeze %dma_start3A_55 : memref<1x10000xi32, #tpu.memory_space<hbm>> -> memref<10000xi32, #tpu.memory_space<hbm>>
      tpu.enqueue_dma source(%dma_start3A_56 : memref<10000xi32, #tpu.memory_space<hbm>>) target(%arg6 : memref<10000xi32, #tpu.memory_space<vmem>>) target_semaphore(%run_scoped3A_52 : memref<!tpu.dma_semaphore, #tpu.memory_space<semaphore_mem>>)
      %dma_wait3A_57 = tpu.memref_slice %arg3[%run_scoped3A, %mul3A_4] : memref<2x320000xi32, #tpu.memory_space<hbm>> -> memref<1x10000xi32, #tpu.memory_space<hbm>>
      %dma_wait3A_58 = tpu.memref_squeeze %dma_wait3A_57 : memref<1x10000xi32, #tpu.memory_space<hbm>> -> memref<10000xi32, #tpu.memory_space<hbm>>
      %dma_wait3A_59 = tpu.memref_slice %arg3[%run_scoped3A, %mul3A_4] : memref<2x320000xi32, #tpu.memory_space<hbm>> -> memref<1x10000xi32, #tpu.memory_space<hbm>>
      %dma_wait3A_60 = tpu.memref_squeeze %dma_wait3A_59 : memref<1x10000xi32, #tpu.memory_space<hbm>> -> memref<10000xi32, #tpu.memory_space<hbm>>
      tpu.wait_dma2 semaphore(%run_scoped3A_52 : memref<!tpu.dma_semaphore, #tpu.memory_space<semaphore_mem>>) src(%dma_wait3A_60 : memref<10000xi32, #tpu.memory_space<hbm>>) dst(%arg6 : memref<10000xi32, #tpu.memory_space<vmem>>)
      tpu.yield
    }) : () -> ()
    %mul3A_5 = arith.constant 10000 : i32
    %mul3A_6 = arith.muli %add3A, %mul3A_5 : i32
    %run_scoped3A_7 = arith.constant 1 : i32
    "tpu.region"() ({
      %run_scoped3A_52 = tpu.sem_alloc : memref<!tpu.dma_semaphore, #tpu.memory_space<semaphore_mem>>
      %dma_start3A_53 = tpu.memref_slice %arg3[%run_scoped3A_7, %mul3A_6] : memref<2x320000xi32, #tpu.memory_space<hbm>> -> memref<1x10000xi32, #tpu.memory_space<hbm>>
      %dma_start3A_54 = tpu.memref_squeeze %dma_start3A_53 : memref<1x10000xi32, #tpu.memory_space<hbm>> -> memref<10000xi32, #tpu.memory_space<hbm>>
      %dma_start3A_55 = tpu.memref_slice %arg3[%run_scoped3A_7, %mul3A_6] : memref<2x320000xi32, #tpu.memory_space<hbm>> -> memref<1x10000xi32, #tpu.memory_space<hbm>>
      %dma_start3A_56 = tpu.memref_squeeze %dma_start3A_55 : memref<1x10000xi32, #tpu.memory_space<hbm>> -> memref<10000xi32, #tpu.memory_space<hbm>>
      tpu.enqueue_dma source(%dma_start3A_56 : memref<10000xi32, #tpu.memory_space<hbm>>) target(%arg7 : memref<10000xi32, #tpu.memory_space<vmem>>) target_semaphore(%run_scoped3A_52 : memref<!tpu.dma_semaphore, #tpu.memory_space<semaphore_mem>>)
      %dma_wait3A_57 = tpu.memref_slice %arg3[%run_scoped3A_7, %mul3A_6] : memref<2x320000xi32, #tpu.memory_space<hbm>> -> memref<1x10000xi32, #tpu.memory_space<hbm>>
      %dma_wait3A_58 = tpu.memref_squeeze %dma_wait3A_57 : memref<1x10000xi32, #tpu.memory_space<hbm>> -> memref<10000xi32, #tpu.memory_space<hbm>>
      %dma_wait3A_59 = tpu.memref_slice %arg3[%run_scoped3A_7, %mul3A_6] : memref<2x320000xi32, #tpu.memory_space<hbm>> -> memref<1x10000xi32, #tpu.memory_space<hbm>>
      %dma_wait3A_60 = tpu.memref_squeeze %dma_wait3A_59 : memref<1x10000xi32, #tpu.memory_space<hbm>> -> memref<10000xi32, #tpu.memory_space<hbm>>
      tpu.wait_dma2 semaphore(%run_scoped3A_52 : memref<!tpu.dma_semaphore, #tpu.memory_space<semaphore_mem>>) src(%dma_wait3A_60 : memref<10000xi32, #tpu.memory_space<hbm>>) dst(%arg7 : memref<10000xi32, #tpu.memory_space<vmem>>)
      tpu.yield
    }) : () -> ()
    %dma_start3A = arith.constant 0 : i32
    %dma_start3A_8 = tpu.memref_slice %arg6[%dma_start3A] : memref<10000xi32, #tpu.memory_space<vmem>> -> memref<200xi32, #tpu.memory_space<vmem>>
    %dma_start3A_9 = arith.constant 0 : i32
    %dma_start3A_10 = arith.constant 0 : i32
    %dma_start3A_11 = tpu.memref_slice %arg2[%dma_start3A_9, %dma_start3A_10] : memref<10000x64xf32, #tpu.memory_space<hbm>> -> memref<10000x64xf32, #tpu.memory_space<hbm>>
    tpu.enqueue_indirect_dma source(%dma_start3A_11 : memref<10000x64xf32, #tpu.memory_space<hbm>>) target(%arg8 : memref<200x64xf32, #tpu.memory_space<vmem>>) offsets(%dma_start3A_8 : memref<200xi32, #tpu.memory_space<vmem>>) semaphore(%arg13 : memref<!tpu.dma_semaphore, #tpu.memory_space<semaphore_mem>>)
    %dma_start3A_12 = arith.constant 200 : i32
    %dma_start3A_13 = tpu.memref_slice %arg6[%dma_start3A_12] : memref<10000xi32, #tpu.memory_space<vmem>> -> memref<200xi32, #tpu.memory_space<vmem>>
    %dma_start3A_14 = arith.constant 0 : i32
    %dma_start3A_15 = arith.constant 0 : i32
    %dma_start3A_16 = tpu.memref_slice %arg2[%dma_start3A_14, %dma_start3A_15] : memref<10000x64xf32, #tpu.memory_space<hbm>> -> memref<10000x64xf32, #tpu.memory_space<hbm>>
    tpu.enqueue_indirect_dma source(%dma_start3A_16 : memref<10000x64xf32, #tpu.memory_space<hbm>>) target(%arg9 : memref<200x64xf32, #tpu.memory_space<vmem>>) offsets(%dma_start3A_13 : memref<200xi32, #tpu.memory_space<vmem>>) semaphore(%arg14 : memref<!tpu.dma_semaphore, #tpu.memory_space<semaphore_mem>>)
    %dma_start3A_17 = arith.constant 400 : i32
    %dma_start3A_18 = tpu.memref_slice %arg6[%dma_start3A_17] : memref<10000xi32, #tpu.memory_space<vmem>> -> memref<200xi32, #tpu.memory_space<vmem>>
    %dma_start3A_19 = arith.constant 0 : i32
    %dma_start3A_20 = arith.constant 0 : i32
    %dma_start3A_21 = tpu.memref_slice %arg2[%dma_start3A_19, %dma_start3A_20] : memref<10000x64xf32, #tpu.memory_space<hbm>> -> memref<10000x64xf32, #tpu.memory_space<hbm>>
    tpu.enqueue_indirect_dma source(%dma_start3A_21 : memref<10000x64xf32, #tpu.memory_space<hbm>>) target(%arg10 : memref<200x64xf32, #tpu.memory_space<vmem>>) offsets(%dma_start3A_18 : memref<200xi32, #tpu.memory_space<vmem>>) semaphore(%arg15 : memref<!tpu.dma_semaphore, #tpu.memory_space<semaphore_mem>>)
    %dma_start3A_22 = arith.constant 600 : i32
    %dma_start3A_23 = tpu.memref_slice %arg6[%dma_start3A_22] : memref<10000xi32, #tpu.memory_space<vmem>> -> memref<200xi32, #tpu.memory_space<vmem>>
    %dma_start3A_24 = arith.constant 0 : i32
    %dma_start3A_25 = arith.constant 0 : i32
    %dma_start3A_26 = tpu.memref_slice %arg2[%dma_start3A_24, %dma_start3A_25] : memref<10000x64xf32, #tpu.memory_space<hbm>> -> memref<10000x64xf32, #tpu.memory_space<hbm>>
    tpu.enqueue_indirect_dma source(%dma_start3A_26 : memref<10000x64xf32, #tpu.memory_space<hbm>>) target(%arg11 : memref<200x64xf32, #tpu.memory_space<vmem>>) offsets(%dma_start3A_23 : memref<200xi32, #tpu.memory_space<vmem>>) semaphore(%arg16 : memref<!tpu.dma_semaphore, #tpu.memory_space<semaphore_mem>>)
    "tpu.region"() ({
      %run_scoped3A_52 = tpu.sem_alloc : memref<!tpu.dma_semaphore, #tpu.memory_space<semaphore_mem>>
      %dma_start3A_53 = arith.constant 0 : i32
      %dma_start3A_54 = tpu.memref_slice %arg12[%mul3A_2, %dma_start3A_53] : memref<10240x64xf32, #tpu.memory_space<vmem_shared>> -> memref<640x64xf32, #tpu.memory_space<vmem_shared>>
      %dma_start3A_55 = arith.constant 0 : i32
      %dma_start3A_56 = tpu.memref_slice %arg4[%mul3A_2, %dma_start3A_55] : memref<10240x64xf32, #tpu.memory_space<hbm>> -> memref<640x64xf32, #tpu.memory_space<hbm>>
      tpu.enqueue_dma source(%dma_start3A_56 : memref<640x64xf32, #tpu.memory_space<hbm>>) target(%dma_start3A_54 : memref<640x64xf32, #tpu.memory_space<vmem_shared>>) target_semaphore(%run_scoped3A_52 : memref<!tpu.dma_semaphore, #tpu.memory_space<semaphore_mem>>)
      %dma_wait3A_57 = arith.constant 0 : i32
      %dma_wait3A_58 = tpu.memref_slice %arg12[%mul3A_2, %dma_wait3A_57] : memref<10240x64xf32, #tpu.memory_space<vmem_shared>> -> memref<640x64xf32, #tpu.memory_space<vmem_shared>>
      %dma_wait3A_59 = arith.constant 0 : i32
      %dma_wait3A_60 = tpu.memref_slice %arg4[%mul3A_2, %dma_wait3A_59] : memref<10240x64xf32, #tpu.memory_space<hbm>> -> memref<640x64xf32, #tpu.memory_space<hbm>>
      tpu.wait_dma2 semaphore(%run_scoped3A_52 : memref<!tpu.dma_semaphore, #tpu.memory_space<semaphore_mem>>) src(%dma_wait3A_60 : memref<640x64xf32, #tpu.memory_space<hbm>>) dst(%dma_wait3A_58 : memref<640x64xf32, #tpu.memory_space<vmem_shared>>)
      tpu.yield
    }) : () -> ()
    %barrier3A = arith.constant 0 : index
    tpu.barrier barrier_id(%barrier3A)
    %scan3A = arith.constant 0 : i32
    %scan3A_27 = arith.constant 0 : i32
    %scan3A_28 = arith.constant 13 : i32
    %scan3A_29 = arith.addi %scan3A_27, %scan3A_28 : i32
    %scan3A_30 = arith.constant 1 : i32
    scf.for %scan3A_52 = %scan3A_27 to %scan3A_29 step %scan3A_30  : i32 {
      %mul3A_53 = arith.constant 4 : i32
      %mul3A_54 = arith.muli %mul3A_53, %scan3A_52 : i32
      %add3A_55 = arith.constant 0 : i32
      %add3A_56 = arith.addi %mul3A_54, %add3A_55 : i32
      %lt3A = arith.constant 50 : i32
      %lt3A_57 = arith.cmpi slt, %add3A_56, %lt3A : i32
      %convert_element_type3A = arith.extui %lt3A_57 : i1 to i32
      %cond3A = arith.constant 0 : i32
      %cond3A_58 = arith.cmpi ne, %convert_element_type3A, %cond3A : i32
      scf.if %cond3A_58 {
        %add3A_116 = arith.constant 0 : i32
        %add3A_117 = arith.addi %mul3A_54, %add3A_116 : i32
        %mul3A_118 = arith.constant 200 : i32
        %mul3A_119 = arith.muli %add3A_117, %mul3A_118 : i32
        %dma_wait3A_120 = tpu.memref_slice %arg6[%mul3A_119] : memref<10000xi32, #tpu.memory_space<vmem>> -> memref<200xi32, #tpu.memory_space<vmem>>
        %dma_wait3A_121 = arith.constant 0 : i32
        %dma_wait3A_122 = arith.constant 0 : i32
        %dma_wait3A_123 = tpu.memref_slice %arg2[%dma_wait3A_121, %dma_wait3A_122] : memref<10000x64xf32, #tpu.memory_space<hbm>> -> memref<10000x64xf32, #tpu.memory_space<hbm>>
        tpu.wait_indirect_dma semaphore(%arg13 : memref<!tpu.dma_semaphore, #tpu.memory_space<semaphore_mem>>) src(%dma_wait3A_123 : memref<10000x64xf32, #tpu.memory_space<hbm>>) dst(%arg8 : memref<200x64xf32, #tpu.memory_space<vmem>>)
        %add3A_124 = arith.constant 0 : i32
        %add3A_125 = arith.addi %mul3A_54, %add3A_124 : i32
        %mul3A_126 = arith.constant 200 : i32
        %mul3A_127 = arith.muli %add3A_125, %mul3A_126 : i32
        %dma_start3A_128 = tpu.memref_slice %arg7[%mul3A_127] : memref<10000xi32, #tpu.memory_space<vmem>> -> memref<200xi32, #tpu.memory_space<vmem>>
        %dma_start3A_129 = arith.constant 0 : i32
        %dma_start3A_130 = arith.constant 0 : i32
        %dma_start3A_131 = tpu.memref_slice %arg12[%dma_start3A_129, %dma_start3A_130] : memref<10240x64xf32, #tpu.memory_space<vmem_shared>> -> memref<10240x64xf32, #tpu.memory_space<vmem_shared>>
        tpu.enqueue_indirect_dma source(%arg8 : memref<200x64xf32, #tpu.memory_space<vmem>>) target(%dma_start3A_131 : memref<10240x64xf32, #tpu.memory_space<vmem_shared>>) offsets(%dma_start3A_128 : memref<200xi32, #tpu.memory_space<vmem>>) semaphore(%arg17 : memref<!tpu.dma_semaphore, #tpu.memory_space<semaphore_mem>>) {add = true}
      } else {
      }
      %add3A_59 = arith.constant 1 : i32
      %add3A_60 = arith.addi %mul3A_54, %add3A_59 : i32
      %lt3A_61 = arith.constant 50 : i32
      %lt3A_62 = arith.cmpi slt, %add3A_60, %lt3A_61 : i32
      %convert_element_type3A_63 = arith.extui %lt3A_62 : i1 to i32
      %cond3A_64 = arith.constant 0 : i32
      %cond3A_65 = arith.cmpi ne, %convert_element_type3A_63, %cond3A_64 : i32
      scf.if %cond3A_65 {
        %add3A_116 = arith.constant 1 : i32
        %add3A_117 = arith.addi %mul3A_54, %add3A_116 : i32
        %mul3A_118 = arith.constant 200 : i32
        %mul3A_119 = arith.muli %add3A_117, %mul3A_118 : i32
        %dma_wait3A_120 = tpu.memref_slice %arg6[%mul3A_119] : memref<10000xi32, #tpu.memory_space<vmem>> -> memref<200xi32, #tpu.memory_space<vmem>>
        %dma_wait3A_121 = arith.constant 0 : i32
        %dma_wait3A_122 = arith.constant 0 : i32
        %dma_wait3A_123 = tpu.memref_slice %arg2[%dma_wait3A_121, %dma_wait3A_122] : memref<10000x64xf32, #tpu.memory_space<hbm>> -> memref<10000x64xf32, #tpu.memory_space<hbm>>
        tpu.wait_indirect_dma semaphore(%arg14 : memref<!tpu.dma_semaphore, #tpu.memory_space<semaphore_mem>>) src(%dma_wait3A_123 : memref<10000x64xf32, #tpu.memory_space<hbm>>) dst(%arg9 : memref<200x64xf32, #tpu.memory_space<vmem>>)
        %add3A_124 = arith.constant 1 : i32
        %add3A_125 = arith.addi %mul3A_54, %add3A_124 : i32
        %mul3A_126 = arith.constant 200 : i32
        %mul3A_127 = arith.muli %add3A_125, %mul3A_126 : i32
        %dma_start3A_128 = tpu.memref_slice %arg7[%mul3A_127] : memref<10000xi32, #tpu.memory_space<vmem>> -> memref<200xi32, #tpu.memory_space<vmem>>
        %dma_start3A_129 = arith.constant 0 : i32
        %dma_start3A_130 = arith.constant 0 : i32
        %dma_start3A_131 = tpu.memref_slice %arg12[%dma_start3A_129, %dma_start3A_130] : memref<10240x64xf32, #tpu.memory_space<vmem_shared>> -> memref<10240x64xf32, #tpu.memory_space<vmem_shared>>
        tpu.enqueue_indirect_dma source(%arg9 : memref<200x64xf32, #tpu.memory_space<vmem>>) target(%dma_start3A_131 : memref<10240x64xf32, #tpu.memory_space<vmem_shared>>) offsets(%dma_start3A_128 : memref<200xi32, #tpu.memory_space<vmem>>) semaphore(%arg18 : memref<!tpu.dma_semaphore, #tpu.memory_space<semaphore_mem>>) {add = true}
      } else {
      }
      %add3A_66 = arith.constant 2 : i32
      %add3A_67 = arith.addi %mul3A_54, %add3A_66 : i32
      %lt3A_68 = arith.constant 50 : i32
      %lt3A_69 = arith.cmpi slt, %add3A_67, %lt3A_68 : i32
      %convert_element_type3A_70 = arith.extui %lt3A_69 : i1 to i32
      %cond3A_71 = arith.constant 0 : i32
      %cond3A_72 = arith.cmpi ne, %convert_element_type3A_70, %cond3A_71 : i32
      scf.if %cond3A_72 {
        %add3A_116 = arith.constant 2 : i32
        %add3A_117 = arith.addi %mul3A_54, %add3A_116 : i32
        %mul3A_118 = arith.constant 200 : i32
        %mul3A_119 = arith.muli %add3A_117, %mul3A_118 : i32
        %dma_wait3A_120 = tpu.memref_slice %arg6[%mul3A_119] : memref<10000xi32, #tpu.memory_space<vmem>> -> memref<200xi32, #tpu.memory_space<vmem>>
        %dma_wait3A_121 = arith.constant 0 : i32
        %dma_wait3A_122 = arith.constant 0 : i32
        %dma_wait3A_123 = tpu.memref_slice %arg2[%dma_wait3A_121, %dma_wait3A_122] : memref<10000x64xf32, #tpu.memory_space<hbm>> -> memref<10000x64xf32, #tpu.memory_space<hbm>>
        tpu.wait_indirect_dma semaphore(%arg15 : memref<!tpu.dma_semaphore, #tpu.memory_space<semaphore_mem>>) src(%dma_wait3A_123 : memref<10000x64xf32, #tpu.memory_space<hbm>>) dst(%arg10 : memref<200x64xf32, #tpu.memory_space<vmem>>)
        %add3A_124 = arith.constant 2 : i32
        %add3A_125 = arith.addi %mul3A_54, %add3A_124 : i32
        %mul3A_126 = arith.constant 200 : i32
        %mul3A_127 = arith.muli %add3A_125, %mul3A_126 : i32
        %dma_start3A_128 = tpu.memref_slice %arg7[%mul3A_127] : memref<10000xi32, #tpu.memory_space<vmem>> -> memref<200xi32, #tpu.memory_space<vmem>>
        %dma_start3A_129 = arith.constant 0 : i32
        %dma_start3A_130 = arith.constant 0 : i32
        %dma_start3A_131 = tpu.memref_slice %arg12[%dma_start3A_129, %dma_start3A_130] : memref<10240x64xf32, #tpu.memory_space<vmem_shared>> -> memref<10240x64xf32, #tpu.memory_space<vmem_shared>>
        tpu.enqueue_indirect_dma source(%arg10 : memref<200x64xf32, #tpu.memory_space<vmem>>) target(%dma_start3A_131 : memref<10240x64xf32, #tpu.memory_space<vmem_shared>>) offsets(%dma_start3A_128 : memref<200xi32, #tpu.memory_space<vmem>>) semaphore(%arg19 : memref<!tpu.dma_semaphore, #tpu.memory_space<semaphore_mem>>) {add = true}
      } else {
      }
      %add3A_73 = arith.constant 3 : i32
      %add3A_74 = arith.addi %mul3A_54, %add3A_73 : i32
      %lt3A_75 = arith.constant 50 : i32
      %lt3A_76 = arith.cmpi slt, %add3A_74, %lt3A_75 : i32
      %convert_element_type3A_77 = arith.extui %lt3A_76 : i1 to i32
      %cond3A_78 = arith.constant 0 : i32
      %cond3A_79 = arith.cmpi ne, %convert_element_type3A_77, %cond3A_78 : i32
      scf.if %cond3A_79 {
        %add3A_116 = arith.constant 3 : i32
        %add3A_117 = arith.addi %mul3A_54, %add3A_116 : i32
        %mul3A_118 = arith.constant 200 : i32
        %mul3A_119 = arith.muli %add3A_117, %mul3A_118 : i32
        %dma_wait3A_120 = tpu.memref_slice %arg6[%mul3A_119] : memref<10000xi32, #tpu.memory_space<vmem>> -> memref<200xi32, #tpu.memory_space<vmem>>
        %dma_wait3A_121 = arith.constant 0 : i32
        %dma_wait3A_122 = arith.constant 0 : i32
        %dma_wait3A_123 = tpu.memref_slice %arg2[%dma_wait3A_121, %dma_wait3A_122] : memref<10000x64xf32, #tpu.memory_space<hbm>> -> memref<10000x64xf32, #tpu.memory_space<hbm>>
        tpu.wait_indirect_dma semaphore(%arg16 : memref<!tpu.dma_semaphore, #tpu.memory_space<semaphore_mem>>) src(%dma_wait3A_123 : memref<10000x64xf32, #tpu.memory_space<hbm>>) dst(%arg11 : memref<200x64xf32, #tpu.memory_space<vmem>>)
        %add3A_124 = arith.constant 3 : i32
        %add3A_125 = arith.addi %mul3A_54, %add3A_124 : i32
        %mul3A_126 = arith.constant 200 : i32
        %mul3A_127 = arith.muli %add3A_125, %mul3A_126 : i32
        %dma_start3A_128 = tpu.memref_slice %arg7[%mul3A_127] : memref<10000xi32, #tpu.memory_space<vmem>> -> memref<200xi32, #tpu.memory_space<vmem>>
        %dma_start3A_129 = arith.constant 0 : i32
        %dma_start3A_130 = arith.constant 0 : i32
        %dma_start3A_131 = tpu.memref_slice %arg12[%dma_start3A_129, %dma_start3A_130] : memref<10240x64xf32, #tpu.memory_space<vmem_shared>> -> memref<10240x64xf32, #tpu.memory_space<vmem_shared>>
        tpu.enqueue_indirect_dma source(%arg11 : memref<200x64xf32, #tpu.memory_space<vmem>>) target(%dma_start3A_131 : memref<10240x64xf32, #tpu.memory_space<vmem_shared>>) offsets(%dma_start3A_128 : memref<200xi32, #tpu.memory_space<vmem>>) semaphore(%arg20 : memref<!tpu.dma_semaphore, #tpu.memory_space<semaphore_mem>>) {add = true}
      } else {
      }
      %add3A_80 = arith.constant 0 : i32
      %add3A_81 = arith.addi %mul3A_54, %add3A_80 : i32
      %add3A_82 = arith.constant 4 : i32
      %add3A_83 = arith.addi %add3A_81, %add3A_82 : i32
      %lt3A_84 = arith.constant 50 : i32
      %lt3A_85 = arith.cmpi slt, %add3A_83, %lt3A_84 : i32
      %convert_element_type3A_86 = arith.extui %lt3A_85 : i1 to i32
      %cond3A_87 = arith.constant 0 : i32
      %cond3A_88 = arith.cmpi ne, %convert_element_type3A_86, %cond3A_87 : i32
      scf.if %cond3A_88 {
        %add3A_116 = arith.constant 0 : i32
        %add3A_117 = arith.addi %mul3A_54, %add3A_116 : i32
        %mul3A_118 = arith.constant 200 : i32
        %mul3A_119 = arith.muli %add3A_117, %mul3A_118 : i32
        %dma_wait3A_120 = tpu.memref_slice %arg7[%mul3A_119] : memref<10000xi32, #tpu.memory_space<vmem>> -> memref<200xi32, #tpu.memory_space<vmem>>
        %dma_wait3A_121 = arith.constant 0 : i32
        %dma_wait3A_122 = arith.constant 0 : i32
        %dma_wait3A_123 = tpu.memref_slice %arg12[%dma_wait3A_121, %dma_wait3A_122] : memref<10240x64xf32, #tpu.memory_space<vmem_shared>> -> memref<10240x64xf32, #tpu.memory_space<vmem_shared>>
        tpu.wait_indirect_dma semaphore(%arg17 : memref<!tpu.dma_semaphore, #tpu.memory_space<semaphore_mem>>) src(%arg8 : memref<200x64xf32, #tpu.memory_space<vmem>>) dst(%dma_wait3A_123 : memref<10240x64xf32, #tpu.memory_space<vmem_shared>>)
        %add3A_124 = arith.constant 0 : i32
        %add3A_125 = arith.addi %mul3A_54, %add3A_124 : i32
        %add3A_126 = arith.constant 4 : i32
        %add3A_127 = arith.addi %add3A_125, %add3A_126 : i32
        %mul3A_128 = arith.constant 200 : i32
        %mul3A_129 = arith.muli %add3A_127, %mul3A_128 : i32
        %dma_start3A_130 = tpu.memref_slice %arg6[%mul3A_129] : memref<10000xi32, #tpu.memory_space<vmem>> -> memref<200xi32, #tpu.memory_space<vmem>>
        %dma_start3A_131 = arith.constant 0 : i32
        %dma_start3A_132 = arith.constant 0 : i32
        %dma_start3A_133 = tpu.memref_slice %arg2[%dma_start3A_131, %dma_start3A_132] : memref<10000x64xf32, #tpu.memory_space<hbm>> -> memref<10000x64xf32, #tpu.memory_space<hbm>>
        tpu.enqueue_indirect_dma source(%dma_start3A_133 : memref<10000x64xf32, #tpu.memory_space<hbm>>) target(%arg8 : memref<200x64xf32, #tpu.memory_space<vmem>>) offsets(%dma_start3A_130 : memref<200xi32, #tpu.memory_space<vmem>>) semaphore(%arg13 : memref<!tpu.dma_semaphore, #tpu.memory_space<semaphore_mem>>)
      } else {
      }
      %add3A_89 = arith.constant 1 : i32
      %add3A_90 = arith.addi %mul3A_54, %add3A_89 : i32
      %add3A_91 = arith.constant 4 : i32
      %add3A_92 = arith.addi %add3A_90, %add3A_91 : i32
      %lt3A_93 = arith.constant 50 : i32
      %lt3A_94 = arith.cmpi slt, %add3A_92, %lt3A_93 : i32
      %convert_element_type3A_95 = arith.extui %lt3A_94 : i1 to i32
      %cond3A_96 = arith.constant 0 : i32
      %cond3A_97 = arith.cmpi ne, %convert_element_type3A_95, %cond3A_96 : i32
      scf.if %cond3A_97 {
        %add3A_116 = arith.constant 1 : i32
        %add3A_117 = arith.addi %mul3A_54, %add3A_116 : i32
        %mul3A_118 = arith.constant 200 : i32
        %mul3A_119 = arith.muli %add3A_117, %mul3A_118 : i32
        %dma_wait3A_120 = tpu.memref_slice %arg7[%mul3A_119] : memref<10000xi32, #tpu.memory_space<vmem>> -> memref<200xi32, #tpu.memory_space<vmem>>
        %dma_wait3A_121 = arith.constant 0 : i32
        %dma_wait3A_122 = arith.constant 0 : i32
        %dma_wait3A_123 = tpu.memref_slice %arg12[%dma_wait3A_121, %dma_wait3A_122] : memref<10240x64xf32, #tpu.memory_space<vmem_shared>> -> memref<10240x64xf32, #tpu.memory_space<vmem_shared>>
        tpu.wait_indirect_dma semaphore(%arg18 : memref<!tpu.dma_semaphore, #tpu.memory_space<semaphore_mem>>) src(%arg9 : memref<200x64xf32, #tpu.memory_space<vmem>>) dst(%dma_wait3A_123 : memref<10240x64xf32, #tpu.memory_space<vmem_shared>>)
        %add3A_124 = arith.constant 1 : i32
        %add3A_125 = arith.addi %mul3A_54, %add3A_124 : i32
        %add3A_126 = arith.constant 4 : i32
        %add3A_127 = arith.addi %add3A_125, %add3A_126 : i32
        %mul3A_128 = arith.constant 200 : i32
        %mul3A_129 = arith.muli %add3A_127, %mul3A_128 : i32
        %dma_start3A_130 = tpu.memref_slice %arg6[%mul3A_129] : memref<10000xi32, #tpu.memory_space<vmem>> -> memref<200xi32, #tpu.memory_space<vmem>>
        %dma_start3A_131 = arith.constant 0 : i32
        %dma_start3A_132 = arith.constant 0 : i32
        %dma_start3A_133 = tpu.memref_slice %arg2[%dma_start3A_131, %dma_start3A_132] : memref<10000x64xf32, #tpu.memory_space<hbm>> -> memref<10000x64xf32, #tpu.memory_space<hbm>>
        tpu.enqueue_indirect_dma source(%dma_start3A_133 : memref<10000x64xf32, #tpu.memory_space<hbm>>) target(%arg9 : memref<200x64xf32, #tpu.memory_space<vmem>>) offsets(%dma_start3A_130 : memref<200xi32, #tpu.memory_space<vmem>>) semaphore(%arg14 : memref<!tpu.dma_semaphore, #tpu.memory_space<semaphore_mem>>)
      } else {
      }
      %add3A_98 = arith.constant 2 : i32
      %add3A_99 = arith.addi %mul3A_54, %add3A_98 : i32
      %add3A_100 = arith.constant 4 : i32
      %add3A_101 = arith.addi %add3A_99, %add3A_100 : i32
      %lt3A_102 = arith.constant 50 : i32
      %lt3A_103 = arith.cmpi slt, %add3A_101, %lt3A_102 : i32
      %convert_element_type3A_104 = arith.extui %lt3A_103 : i1 to i32
      %cond3A_105 = arith.constant 0 : i32
      %cond3A_106 = arith.cmpi ne, %convert_element_type3A_104, %cond3A_105 : i32
      scf.if %cond3A_106 {
        %add3A_116 = arith.constant 2 : i32
        %add3A_117 = arith.addi %mul3A_54, %add3A_116 : i32
        %mul3A_118 = arith.constant 200 : i32
        %mul3A_119 = arith.muli %add3A_117, %mul3A_118 : i32
        %dma_wait3A_120 = tpu.memref_slice %arg7[%mul3A_119] : memref<10000xi32, #tpu.memory_space<vmem>> -> memref<200xi32, #tpu.memory_space<vmem>>
        %dma_wait3A_121 = arith.constant 0 : i32
        %dma_wait3A_122 = arith.constant 0 : i32
        %dma_wait3A_123 = tpu.memref_slice %arg12[%dma_wait3A_121, %dma_wait3A_122] : memref<10240x64xf32, #tpu.memory_space<vmem_shared>> -> memref<10240x64xf32, #tpu.memory_space<vmem_shared>>
        tpu.wait_indirect_dma semaphore(%arg19 : memref<!tpu.dma_semaphore, #tpu.memory_space<semaphore_mem>>) src(%arg10 : memref<200x64xf32, #tpu.memory_space<vmem>>) dst(%dma_wait3A_123 : memref<10240x64xf32, #tpu.memory_space<vmem_shared>>)
        %add3A_124 = arith.constant 2 : i32
        %add3A_125 = arith.addi %mul3A_54, %add3A_124 : i32
        %add3A_126 = arith.constant 4 : i32
        %add3A_127 = arith.addi %add3A_125, %add3A_126 : i32
        %mul3A_128 = arith.constant 200 : i32
        %mul3A_129 = arith.muli %add3A_127, %mul3A_128 : i32
        %dma_start3A_130 = tpu.memref_slice %arg6[%mul3A_129] : memref<10000xi32, #tpu.memory_space<vmem>> -> memref<200xi32, #tpu.memory_space<vmem>>
        %dma_start3A_131 = arith.constant 0 : i32
        %dma_start3A_132 = arith.constant 0 : i32
        %dma_start3A_133 = tpu.memref_slice %arg2[%dma_start3A_131, %dma_start3A_132] : memref<10000x64xf32, #tpu.memory_space<hbm>> -> memref<10000x64xf32, #tpu.memory_space<hbm>>
        tpu.enqueue_indirect_dma source(%dma_start3A_133 : memref<10000x64xf32, #tpu.memory_space<hbm>>) target(%arg10 : memref<200x64xf32, #tpu.memory_space<vmem>>) offsets(%dma_start3A_130 : memref<200xi32, #tpu.memory_space<vmem>>) semaphore(%arg15 : memref<!tpu.dma_semaphore, #tpu.memory_space<semaphore_mem>>)
      } else {
      }
      %add3A_107 = arith.constant 3 : i32
      %add3A_108 = arith.addi %mul3A_54, %add3A_107 : i32
      %add3A_109 = arith.constant 4 : i32
      %add3A_110 = arith.addi %add3A_108, %add3A_109 : i32
      %lt3A_111 = arith.constant 50 : i32
      %lt3A_112 = arith.cmpi slt, %add3A_110, %lt3A_111 : i32
      %convert_element_type3A_113 = arith.extui %lt3A_112 : i1 to i32
      %cond3A_114 = arith.constant 0 : i32
      %cond3A_115 = arith.cmpi ne, %convert_element_type3A_113, %cond3A_114 : i32
      scf.if %cond3A_115 {
        %add3A_116 = arith.constant 3 : i32
        %add3A_117 = arith.addi %mul3A_54, %add3A_116 : i32
        %mul3A_118 = arith.constant 200 : i32
        %mul3A_119 = arith.muli %add3A_117, %mul3A_118 : i32
        %dma_wait3A_120 = tpu.memref_slice %arg7[%mul3A_119] : memref<10000xi32, #tpu.memory_space<vmem>> -> memref<200xi32, #tpu.memory_space<vmem>>
        %dma_wait3A_121 = arith.constant 0 : i32
        %dma_wait3A_122 = arith.constant 0 : i32
        %dma_wait3A_123 = tpu.memref_slice %arg12[%dma_wait3A_121, %dma_wait3A_122] : memref<10240x64xf32, #tpu.memory_space<vmem_shared>> -> memref<10240x64xf32, #tpu.memory_space<vmem_shared>>
        tpu.wait_indirect_dma semaphore(%arg20 : memref<!tpu.dma_semaphore, #tpu.memory_space<semaphore_mem>>) src(%arg11 : memref<200x64xf32, #tpu.memory_space<vmem>>) dst(%dma_wait3A_123 : memref<10240x64xf32, #tpu.memory_space<vmem_shared>>)
        %add3A_124 = arith.constant 3 : i32
        %add3A_125 = arith.addi %mul3A_54, %add3A_124 : i32
        %add3A_126 = arith.constant 4 : i32
        %add3A_127 = arith.addi %add3A_125, %add3A_126 : i32
        %mul3A_128 = arith.constant 200 : i32
        %mul3A_129 = arith.muli %add3A_127, %mul3A_128 : i32
        %dma_start3A_130 = tpu.memref_slice %arg6[%mul3A_129] : memref<10000xi32, #tpu.memory_space<vmem>> -> memref<200xi32, #tpu.memory_space<vmem>>
        %dma_start3A_131 = arith.constant 0 : i32
        %dma_start3A_132 = arith.constant 0 : i32
        %dma_start3A_133 = tpu.memref_slice %arg2[%dma_start3A_131, %dma_start3A_132] : memref<10000x64xf32, #tpu.memory_space<hbm>> -> memref<10000x64xf32, #tpu.memory_space<hbm>>
        tpu.enqueue_indirect_dma source(%dma_start3A_133 : memref<10000x64xf32, #tpu.memory_space<hbm>>) target(%arg11 : memref<200x64xf32, #tpu.memory_space<vmem>>) offsets(%dma_start3A_130 : memref<200xi32, #tpu.memory_space<vmem>>) semaphore(%arg16 : memref<!tpu.dma_semaphore, #tpu.memory_space<semaphore_mem>>)
      } else {
      }
    }
    %scan3A_31 = arith.constant 13 : i32
    %dma_wait3A = arith.constant 9200 : i32
    %dma_wait3A_32 = tpu.memref_slice %arg7[%dma_wait3A] : memref<10000xi32, #tpu.memory_space<vmem>> -> memref<200xi32, #tpu.memory_space<vmem>>
    %dma_wait3A_33 = arith.constant 0 : i32
    %dma_wait3A_34 = arith.constant 0 : i32
    %dma_wait3A_35 = tpu.memref_slice %arg12[%dma_wait3A_33, %dma_wait3A_34] : memref<10240x64xf32, #tpu.memory_space<vmem_shared>> -> memref<10240x64xf32, #tpu.memory_space<vmem_shared>>
    tpu.wait_indirect_dma semaphore(%arg17 : memref<!tpu.dma_semaphore, #tpu.memory_space<semaphore_mem>>) src(%arg8 : memref<200x64xf32, #tpu.memory_space<vmem>>) dst(%dma_wait3A_35 : memref<10240x64xf32, #tpu.memory_space<vmem_shared>>)
    %dma_wait3A_36 = arith.constant 9400 : i32
    %dma_wait3A_37 = tpu.memref_slice %arg7[%dma_wait3A_36] : memref<10000xi32, #tpu.memory_space<vmem>> -> memref<200xi32, #tpu.memory_space<vmem>>
    %dma_wait3A_38 = arith.constant 0 : i32
    %dma_wait3A_39 = arith.constant 0 : i32
    %dma_wait3A_40 = tpu.memref_slice %arg12[%dma_wait3A_38, %dma_wait3A_39] : memref<10240x64xf32, #tpu.memory_space<vmem_shared>> -> memref<10240x64xf32, #tpu.memory_space<vmem_shared>>
    tpu.wait_indirect_dma semaphore(%arg18 : memref<!tpu.dma_semaphore, #tpu.memory_space<semaphore_mem>>) src(%arg9 : memref<200x64xf32, #tpu.memory_space<vmem>>) dst(%dma_wait3A_40 : memref<10240x64xf32, #tpu.memory_space<vmem_shared>>)
    %dma_wait3A_41 = arith.constant 9600 : i32
    %dma_wait3A_42 = tpu.memref_slice %arg7[%dma_wait3A_41] : memref<10000xi32, #tpu.memory_space<vmem>> -> memref<200xi32, #tpu.memory_space<vmem>>
    %dma_wait3A_43 = arith.constant 0 : i32
    %dma_wait3A_44 = arith.constant 0 : i32
    %dma_wait3A_45 = tpu.memref_slice %arg12[%dma_wait3A_43, %dma_wait3A_44] : memref<10240x64xf32, #tpu.memory_space<vmem_shared>> -> memref<10240x64xf32, #tpu.memory_space<vmem_shared>>
    tpu.wait_indirect_dma semaphore(%arg19 : memref<!tpu.dma_semaphore, #tpu.memory_space<semaphore_mem>>) src(%arg10 : memref<200x64xf32, #tpu.memory_space<vmem>>) dst(%dma_wait3A_45 : memref<10240x64xf32, #tpu.memory_space<vmem_shared>>)
    %dma_wait3A_46 = arith.constant 9800 : i32
    %dma_wait3A_47 = tpu.memref_slice %arg7[%dma_wait3A_46] : memref<10000xi32, #tpu.memory_space<vmem>> -> memref<200xi32, #tpu.memory_space<vmem>>
    %dma_wait3A_48 = arith.constant 0 : i32
    %dma_wait3A_49 = arith.constant 0 : i32
    %dma_wait3A_50 = tpu.memref_slice %arg12[%dma_wait3A_48, %dma_wait3A_49] : memref<10240x64xf32, #tpu.memory_space<vmem_shared>> -> memref<10240x64xf32, #tpu.memory_space<vmem_shared>>
    tpu.wait_indirect_dma semaphore(%arg20 : memref<!tpu.dma_semaphore, #tpu.memory_space<semaphore_mem>>) src(%arg11 : memref<200x64xf32, #tpu.memory_space<vmem>>) dst(%dma_wait3A_50 : memref<10240x64xf32, #tpu.memory_space<vmem_shared>>)
    %barrier3A_51 = arith.constant 0 : index
    tpu.barrier barrier_id(%barrier3A_51)
    "tpu.region"() ({
      %run_scoped3A_52 = tpu.sem_alloc : memref<!tpu.dma_semaphore, #tpu.memory_space<semaphore_mem>>
      %dma_start3A_53 = arith.constant 0 : i32
      %dma_start3A_54 = tpu.memref_slice %arg5[%arg0, %mul3A_2, %dma_start3A_53] : memref<2x10240x64xf32, #tpu.memory_space<hbm>> -> memref<1x640x64xf32, #tpu.memory_space<hbm>>
      %dma_start3A_55 = tpu.memref_squeeze %dma_start3A_54 : memref<1x640x64xf32, #tpu.memory_space<hbm>> -> memref<640x64xf32, #tpu.memory_space<hbm>>
      %dma_start3A_56 = arith.constant 0 : i32
      %dma_start3A_57 = tpu.memref_slice %arg12[%mul3A_2, %dma_start3A_56] : memref<10240x64xf32, #tpu.memory_space<vmem_shared>> -> memref<640x64xf32, #tpu.memory_space<vmem_shared>>
      tpu.enqueue_dma source(%dma_start3A_57 : memref<640x64xf32, #tpu.memory_space<vmem_shared>>) target(%dma_start3A_55 : memref<640x64xf32, #tpu.memory_space<hbm>>) target_semaphore(%run_scoped3A_52 : memref<!tpu.dma_semaphore, #tpu.memory_space<semaphore_mem>>)
      %dma_wait3A_58 = arith.constant 0 : i32
      %dma_wait3A_59 = tpu.memref_slice %arg5[%arg0, %mul3A_2, %dma_wait3A_58] : memref<2x10240x64xf32, #tpu.memory_space<hbm>> -> memref<1x640x64xf32, #tpu.memory_space<hbm>>
      %dma_wait3A_60 = tpu.memref_squeeze %dma_wait3A_59 : memref<1x640x64xf32, #tpu.memory_space<hbm>> -> memref<640x64xf32, #tpu.memory_space<hbm>>
      %dma_wait3A_61 = arith.constant 0 : i32
      %dma_wait3A_62 = tpu.memref_slice %arg12[%mul3A_2, %dma_wait3A_61] : memref<10240x64xf32, #tpu.memory_space<vmem_shared>> -> memref<640x64xf32, #tpu.memory_space<vmem_shared>>
      tpu.wait_dma2 semaphore(%run_scoped3A_52 : memref<!tpu.dma_semaphore, #tpu.memory_space<semaphore_mem>>) src(%dma_wait3A_62 : memref<640x64xf32, #tpu.memory_space<vmem_shared>>) dst(%dma_wait3A_60 : memref<640x64xf32, #tpu.memory_space<hbm>>)
      tpu.yield
    }) : () -> ()
    return
  }
}

#map = affine_map<(d0, d1) -> (0, 0)>
#map1 = affine_map<(d0, d1) -> (0, 0, 0)>
module attributes {stable_mosaic.version = 14 : i64} {
  func.func @_prop_kernel(%arg0: i32, %arg1: i32, %arg2: memref<10000x64xf32, #tpu.memory_space<hbm>>, %arg3: memref<2x320000xi32, #tpu.memory_space<hbm>>, %arg4: memref<10240x64xf32, #tpu.memory_space<hbm>>, %arg5: memref<2x10240x64xf32, #tpu.memory_space<hbm>>, %arg6: memref<10000xi32, #tpu.memory_space<vmem>>, %arg7: memref<10000xi32, #tpu.memory_space<vmem>>, %arg8: memref<200x64xf32, #tpu.memory_space<vmem>>, %arg9: memref<200x64xf32, #tpu.memory_space<vmem>>, %arg10: memref<200x64xf32, #tpu.memory_space<vmem>>, %arg11: memref<200x64xf32, #tpu.memory_space<vmem>>, %arg12: memref<10240x64xf32, #tpu.memory_space<vmem_shared>>, %arg13: memref<!tpu.dma_semaphore, #tpu.memory_space<semaphore_mem>>, %arg14: memref<!tpu.dma_semaphore, #tpu.memory_space<semaphore_mem>>, %arg15: memref<!tpu.dma_semaphore, #tpu.memory_space<semaphore_mem>>, %arg16: memref<!tpu.dma_semaphore, #tpu.memory_space<semaphore_mem>>, %arg17: memref<!tpu.dma_semaphore, #tpu.memory_space<semaphore_mem>>, %arg18: memref<!tpu.dma_semaphore, #tpu.memory_space<semaphore_mem>>, %arg19: memref<!tpu.dma_semaphore, #tpu.memory_space<semaphore_mem>>, %arg20: memref<!tpu.dma_semaphore, #tpu.memory_space<semaphore_mem>>) attributes {dimension_semantics = [#tpu.dimension_semantics<core_parallel>, #tpu.dimension_semantics<subcore_parallel>], iteration_bounds = array<i64: 2, 16>, scalar_prefetch = 0 : i64, scratch_operands = 15 : i64, tpu.core_type = #tpu.core_type<sc_vector_subcore>, window_params = [{transform_indices = #map}, {transform_indices = #map}, {transform_indices = #map}, {transform_indices = #map1}]} {
    %mul3A = arith.constant 16 : i32
    %mul3A_0 = arith.muli %arg0, %mul3A : i32
    %add3A = arith.addi %mul3A_0, %arg1 : i32
    %mul3A_1 = arith.constant 640 : i32
    %mul3A_2 = arith.muli %arg1, %mul3A_1 : i32
    %mul3A_3 = arith.constant 10000 : i32
    %mul3A_4 = arith.muli %add3A, %mul3A_3 : i32
    %run_scoped3A = arith.constant 0 : i32
    "tpu.region"() ({
      %run_scoped3A_52 = tpu.sem_alloc : memref<!tpu.dma_semaphore, #tpu.memory_space<semaphore_mem>>
      %dma_start3A_53 = tpu.memref_slice %arg3[%run_scoped3A, %mul3A_4] : memref<2x320000xi32, #tpu.memory_space<hbm>> -> memref<1x10000xi32, #tpu.memory_space<hbm>>
      %dma_start3A_54 = tpu.memref_squeeze %dma_start3A_53 : memref<1x10000xi32, #tpu.memory_space<hbm>> -> memref<10000xi32, #tpu.memory_space<hbm>>
      %dma_start3A_55 = tpu.memref_slice %arg3[%run_scoped3A, %mul3A_4] : memref<2x320000xi32, #tpu.memory_space<hbm>> -> memref<1x10000xi32, #tpu.memory_space<hbm>>
      %dma_start3A_56 = tpu.memref_squeeze %dma_start3A_55 : memref<1x10000xi32, #tpu.memory_space<hbm>> -> memref<10000xi32, #tpu.memory_space<hbm>>
      tpu.enqueue_dma source(%dma_start3A_56 : memref<10000xi32, #tpu.memory_space<hbm>>) target(%arg6 : memref<10000xi32, #tpu.memory_space<vmem>>) target_semaphore(%run_scoped3A_52 : memref<!tpu.dma_semaphore, #tpu.memory_space<semaphore_mem>>)
      %dma_wait3A_57 = tpu.memref_slice %arg3[%run_scoped3A, %mul3A_4] : memref<2x320000xi32, #tpu.memory_space<hbm>> -> memref<1x10000xi32, #tpu.memory_space<hbm>>
      %dma_wait3A_58 = tpu.memref_squeeze %dma_wait3A_57 : memref<1x10000xi32, #tpu.memory_space<hbm>> -> memref<10000xi32, #tpu.memory_space<hbm>>
      %dma_wait3A_59 = tpu.memref_slice %arg3[%run_scoped3A, %mul3A_4] : memref<2x320000xi32, #tpu.memory_space<hbm>> -> memref<1x10000xi32, #tpu.memory_space<hbm>>
      %dma_wait3A_60 = tpu.memref_squeeze %dma_wait3A_59 : memref<1x10000xi32, #tpu.memory_space<hbm>> -> memref<10000xi32, #tpu.memory_space<hbm>>
      tpu.wait_dma2 semaphore(%run_scoped3A_52 : memref<!tpu.dma_semaphore, #tpu.memory_space<semaphore_mem>>) src(%dma_wait3A_60 : memref<10000xi32, #tpu.memory_space<hbm>>) dst(%arg6 : memref<10000xi32, #tpu.memory_space<vmem>>)
      tpu.yield
    }) : () -> ()
    %mul3A_5 = arith.constant 10000 : i32
    %mul3A_6 = arith.muli %add3A, %mul3A_5 : i32
    %run_scoped3A_7 = arith.constant 1 : i32
    "tpu.region"() ({
      %run_scoped3A_52 = tpu.sem_alloc : memref<!tpu.dma_semaphore, #tpu.memory_space<semaphore_mem>>
      %dma_start3A_53 = tpu.memref_slice %arg3[%run_scoped3A_7, %mul3A_6] : memref<2x320000xi32, #tpu.memory_space<hbm>> -> memref<1x10000xi32, #tpu.memory_space<hbm>>
      %dma_start3A_54 = tpu.memref_squeeze %dma_start3A_53 : memref<1x10000xi32, #tpu.memory_space<hbm>> -> memref<10000xi32, #tpu.memory_space<hbm>>
      %dma_start3A_55 = tpu.memref_slice %arg3[%run_scoped3A_7, %mul3A_6] : memref<2x320000xi32, #tpu.memory_space<hbm>> -> memref<1x10000xi32, #tpu.memory_space<hbm>>
      %dma_start3A_56 = tpu.memref_squeeze %dma_start3A_55 : memref<1x10000xi32, #tpu.memory_space<hbm>> -> memref<10000xi32, #tpu.memory_space<hbm>>
      tpu.enqueue_dma source(%dma_start3A_56 : memref<10000xi32, #tpu.memory_space<hbm>>) target(%arg7 : memref<10000xi32, #tpu.memory_space<vmem>>) target_semaphore(%run_scoped3A_52 : memref<!tpu.dma_semaphore, #tpu.memory_space<semaphore_mem>>)
      %dma_wait3A_57 = tpu.memref_slice %arg3[%run_scoped3A_7, %mul3A_6] : memref<2x320000xi32, #tpu.memory_space<hbm>> -> memref<1x10000xi32, #tpu.memory_space<hbm>>
      %dma_wait3A_58 = tpu.memref_squeeze %dma_wait3A_57 : memref<1x10000xi32, #tpu.memory_space<hbm>> -> memref<10000xi32, #tpu.memory_space<hbm>>
      %dma_wait3A_59 = tpu.memref_slice %arg3[%run_scoped3A_7, %mul3A_6] : memref<2x320000xi32, #tpu.memory_space<hbm>> -> memref<1x10000xi32, #tpu.memory_space<hbm>>
      %dma_wait3A_60 = tpu.memref_squeeze %dma_wait3A_59 : memref<1x10000xi32, #tpu.memory_space<hbm>> -> memref<10000xi32, #tpu.memory_space<hbm>>
      tpu.wait_dma2 semaphore(%run_scoped3A_52 : memref<!tpu.dma_semaphore, #tpu.memory_space<semaphore_mem>>) src(%dma_wait3A_60 : memref<10000xi32, #tpu.memory_space<hbm>>) dst(%arg7 : memref<10000xi32, #tpu.memory_space<vmem>>)
      tpu.yield
    }) : () -> ()
    %dma_start3A = arith.constant 0 : i32
    %dma_start3A_8 = tpu.memref_slice %arg6[%dma_start3A] : memref<10000xi32, #tpu.memory_space<vmem>> -> memref<200xi32, #tpu.memory_space<vmem>>
    %dma_start3A_9 = arith.constant 0 : i32
    %dma_start3A_10 = arith.constant 0 : i32
    %dma_start3A_11 = tpu.memref_slice %arg2[%dma_start3A_9, %dma_start3A_10] : memref<10000x64xf32, #tpu.memory_space<hbm>> -> memref<10000x64xf32, #tpu.memory_space<hbm>>
    tpu.enqueue_indirect_dma source(%dma_start3A_11 : memref<10000x64xf32, #tpu.memory_space<hbm>>) target(%arg8 : memref<200x64xf32, #tpu.memory_space<vmem>>) offsets(%dma_start3A_8 : memref<200xi32, #tpu.memory_space<vmem>>) semaphore(%arg13 : memref<!tpu.dma_semaphore, #tpu.memory_space<semaphore_mem>>)
    %dma_start3A_12 = arith.constant 200 : i32
    %dma_start3A_13 = tpu.memref_slice %arg6[%dma_start3A_12] : memref<10000xi32, #tpu.memory_space<vmem>> -> memref<200xi32, #tpu.memory_space<vmem>>
    %dma_start3A_14 = arith.constant 0 : i32
    %dma_start3A_15 = arith.constant 0 : i32
    %dma_start3A_16 = tpu.memref_slice %arg2[%dma_start3A_14, %dma_start3A_15] : memref<10000x64xf32, #tpu.memory_space<hbm>> -> memref<10000x64xf32, #tpu.memory_space<hbm>>
    tpu.enqueue_indirect_dma source(%dma_start3A_16 : memref<10000x64xf32, #tpu.memory_space<hbm>>) target(%arg9 : memref<200x64xf32, #tpu.memory_space<vmem>>) offsets(%dma_start3A_13 : memref<200xi32, #tpu.memory_space<vmem>>) semaphore(%arg14 : memref<!tpu.dma_semaphore, #tpu.memory_space<semaphore_mem>>)
    %dma_start3A_17 = arith.constant 400 : i32
    %dma_start3A_18 = tpu.memref_slice %arg6[%dma_start3A_17] : memref<10000xi32, #tpu.memory_space<vmem>> -> memref<200xi32, #tpu.memory_space<vmem>>
    %dma_start3A_19 = arith.constant 0 : i32
    %dma_start3A_20 = arith.constant 0 : i32
    %dma_start3A_21 = tpu.memref_slice %arg2[%dma_start3A_19, %dma_start3A_20] : memref<10000x64xf32, #tpu.memory_space<hbm>> -> memref<10000x64xf32, #tpu.memory_space<hbm>>
    tpu.enqueue_indirect_dma source(%dma_start3A_21 : memref<10000x64xf32, #tpu.memory_space<hbm>>) target(%arg10 : memref<200x64xf32, #tpu.memory_space<vmem>>) offsets(%dma_start3A_18 : memref<200xi32, #tpu.memory_space<vmem>>) semaphore(%arg15 : memref<!tpu.dma_semaphore, #tpu.memory_space<semaphore_mem>>)
    %dma_start3A_22 = arith.constant 600 : i32
    %dma_start3A_23 = tpu.memref_slice %arg6[%dma_start3A_22] : memref<10000xi32, #tpu.memory_space<vmem>> -> memref<200xi32, #tpu.memory_space<vmem>>
    %dma_start3A_24 = arith.constant 0 : i32
    %dma_start3A_25 = arith.constant 0 : i32
    %dma_start3A_26 = tpu.memref_slice %arg2[%dma_start3A_24, %dma_start3A_25] : memref<10000x64xf32, #tpu.memory_space<hbm>> -> memref<10000x64xf32, #tpu.memory_space<hbm>>
    tpu.enqueue_indirect_dma source(%dma_start3A_26 : memref<10000x64xf32, #tpu.memory_space<hbm>>) target(%arg11 : memref<200x64xf32, #tpu.memory_space<vmem>>) offsets(%dma_start3A_23 : memref<200xi32, #tpu.memory_space<vmem>>) semaphore(%arg16 : memref<!tpu.dma_semaphore, #tpu.memory_space<semaphore_mem>>)
    "tpu.region"() ({
      %run_scoped3A_52 = tpu.sem_alloc : memref<!tpu.dma_semaphore, #tpu.memory_space<semaphore_mem>>
      %dma_start3A_53 = arith.constant 0 : i32
      %dma_start3A_54 = tpu.memref_slice %arg12[%mul3A_2, %dma_start3A_53] : memref<10240x64xf32, #tpu.memory_space<vmem_shared>> -> memref<640x64xf32, #tpu.memory_space<vmem_shared>>
      %dma_start3A_55 = arith.constant 0 : i32
      %dma_start3A_56 = tpu.memref_slice %arg4[%mul3A_2, %dma_start3A_55] : memref<10240x64xf32, #tpu.memory_space<hbm>> -> memref<640x64xf32, #tpu.memory_space<hbm>>
      tpu.enqueue_dma source(%dma_start3A_56 : memref<640x64xf32, #tpu.memory_space<hbm>>) target(%dma_start3A_54 : memref<640x64xf32, #tpu.memory_space<vmem_shared>>) target_semaphore(%run_scoped3A_52 : memref<!tpu.dma_semaphore, #tpu.memory_space<semaphore_mem>>)
      %dma_wait3A_57 = arith.constant 0 : i32
      %dma_wait3A_58 = tpu.memref_slice %arg12[%mul3A_2, %dma_wait3A_57] : memref<10240x64xf32, #tpu.memory_space<vmem_shared>> -> memref<640x64xf32, #tpu.memory_space<vmem_shared>>
      %dma_wait3A_59 = arith.constant 0 : i32
      %dma_wait3A_60 = tpu.memref_slice %arg4[%mul3A_2, %dma_wait3A_59] : memref<10240x64xf32, #tpu.memory_space<hbm>> -> memref<640x64xf32, #tpu.memory_space<hbm>>
      tpu.wait_dma2 semaphore(%run_scoped3A_52 : memref<!tpu.dma_semaphore, #tpu.memory_space<semaphore_mem>>) src(%dma_wait3A_60 : memref<640x64xf32, #tpu.memory_space<hbm>>) dst(%dma_wait3A_58 : memref<640x64xf32, #tpu.memory_space<vmem_shared>>)
      tpu.yield
    }) : () -> ()
    %barrier3A = arith.constant 0 : index
    tpu.barrier barrier_id(%barrier3A)
    %scan3A = arith.constant 0 : i32
    %scan3A_27 = arith.constant 0 : i32
    %scan3A_28 = arith.constant 13 : i32
    %scan3A_29 = arith.addi %scan3A_27, %scan3A_28 : i32
    %scan3A_30 = arith.constant 1 : i32
    scf.for %scan3A_52 = %scan3A_27 to %scan3A_29 step %scan3A_30  : i32 {
      %mul3A_53 = arith.constant 4 : i32
      %mul3A_54 = arith.muli %mul3A_53, %scan3A_52 : i32
      %add3A_55 = arith.constant 0 : i32
      %add3A_56 = arith.addi %mul3A_54, %add3A_55 : i32
      %lt3A = arith.constant 50 : i32
      %lt3A_57 = arith.cmpi slt, %add3A_56, %lt3A : i32
      %convert_element_type3A = arith.extui %lt3A_57 : i1 to i32
      %cond3A = arith.constant 0 : i32
      %cond3A_58 = arith.cmpi ne, %convert_element_type3A, %cond3A : i32
      scf.if %cond3A_58 {
        %add3A_116 = arith.constant 0 : i32
        %add3A_117 = arith.addi %mul3A_54, %add3A_116 : i32
        %mul3A_118 = arith.constant 200 : i32
        %mul3A_119 = arith.muli %add3A_117, %mul3A_118 : i32
        %dma_wait3A_120 = tpu.memref_slice %arg6[%mul3A_119] : memref<10000xi32, #tpu.memory_space<vmem>> -> memref<200xi32, #tpu.memory_space<vmem>>
        %dma_wait3A_121 = arith.constant 0 : i32
        %dma_wait3A_122 = arith.constant 0 : i32
        %dma_wait3A_123 = tpu.memref_slice %arg2[%dma_wait3A_121, %dma_wait3A_122] : memref<10000x64xf32, #tpu.memory_space<hbm>> -> memref<10000x64xf32, #tpu.memory_space<hbm>>
        tpu.wait_indirect_dma semaphore(%arg13 : memref<!tpu.dma_semaphore, #tpu.memory_space<semaphore_mem>>) src(%dma_wait3A_123 : memref<10000x64xf32, #tpu.memory_space<hbm>>) dst(%arg8 : memref<200x64xf32, #tpu.memory_space<vmem>>)
        %add3A_124 = arith.constant 0 : i32
        %add3A_125 = arith.addi %mul3A_54, %add3A_124 : i32
        %mul3A_126 = arith.constant 200 : i32
        %mul3A_127 = arith.muli %add3A_125, %mul3A_126 : i32
        %dma_start3A_128 = tpu.memref_slice %arg7[%mul3A_127] : memref<10000xi32, #tpu.memory_space<vmem>> -> memref<200xi32, #tpu.memory_space<vmem>>
        %dma_start3A_129 = arith.constant 0 : i32
        %dma_start3A_130 = arith.constant 0 : i32
        %dma_start3A_131 = tpu.memref_slice %arg12[%dma_start3A_129, %dma_start3A_130] : memref<10240x64xf32, #tpu.memory_space<vmem_shared>> -> memref<10240x64xf32, #tpu.memory_space<vmem_shared>>
        tpu.enqueue_indirect_dma source(%arg8 : memref<200x64xf32, #tpu.memory_space<vmem>>) target(%dma_start3A_131 : memref<10240x64xf32, #tpu.memory_space<vmem_shared>>) offsets(%dma_start3A_128 : memref<200xi32, #tpu.memory_space<vmem>>) semaphore(%arg17 : memref<!tpu.dma_semaphore, #tpu.memory_space<semaphore_mem>>) {add = true}
      } else {
      }
      %add3A_59 = arith.constant 1 : i32
      %add3A_60 = arith.addi %mul3A_54, %add3A_59 : i32
      %lt3A_61 = arith.constant 50 : i32
      %lt3A_62 = arith.cmpi slt, %add3A_60, %lt3A_61 : i32
      %convert_element_type3A_63 = arith.extui %lt3A_62 : i1 to i32
      %cond3A_64 = arith.constant 0 : i32
      %cond3A_65 = arith.cmpi ne, %convert_element_type3A_63, %cond3A_64 : i32
      scf.if %cond3A_65 {
        %add3A_116 = arith.constant 1 : i32
        %add3A_117 = arith.addi %mul3A_54, %add3A_116 : i32
        %mul3A_118 = arith.constant 200 : i32
        %mul3A_119 = arith.muli %add3A_117, %mul3A_118 : i32
        %dma_wait3A_120 = tpu.memref_slice %arg6[%mul3A_119] : memref<10000xi32, #tpu.memory_space<vmem>> -> memref<200xi32, #tpu.memory_space<vmem>>
        %dma_wait3A_121 = arith.constant 0 : i32
        %dma_wait3A_122 = arith.constant 0 : i32
        %dma_wait3A_123 = tpu.memref_slice %arg2[%dma_wait3A_121, %dma_wait3A_122] : memref<10000x64xf32, #tpu.memory_space<hbm>> -> memref<10000x64xf32, #tpu.memory_space<hbm>>
        tpu.wait_indirect_dma semaphore(%arg14 : memref<!tpu.dma_semaphore, #tpu.memory_space<semaphore_mem>>) src(%dma_wait3A_123 : memref<10000x64xf32, #tpu.memory_space<hbm>>) dst(%arg9 : memref<200x64xf32, #tpu.memory_space<vmem>>)
        %add3A_124 = arith.constant 1 : i32
        %add3A_125 = arith.addi %mul3A_54, %add3A_124 : i32
        %mul3A_126 = arith.constant 200 : i32
        %mul3A_127 = arith.muli %add3A_125, %mul3A_126 : i32
        %dma_start3A_128 = tpu.memref_slice %arg7[%mul3A_127] : memref<10000xi32, #tpu.memory_space<vmem>> -> memref<200xi32, #tpu.memory_space<vmem>>
        %dma_start3A_129 = arith.constant 0 : i32
        %dma_start3A_130 = arith.constant 0 : i32
        %dma_start3A_131 = tpu.memref_slice %arg12[%dma_start3A_129, %dma_start3A_130] : memref<10240x64xf32, #tpu.memory_space<vmem_shared>> -> memref<10240x64xf32, #tpu.memory_space<vmem_shared>>
        tpu.enqueue_indirect_dma source(%arg9 : memref<200x64xf32, #tpu.memory_space<vmem>>) target(%dma_start3A_131 : memref<10240x64xf32, #tpu.memory_space<vmem_shared>>) offsets(%dma_start3A_128 : memref<200xi32, #tpu.memory_space<vmem>>) semaphore(%arg18 : memref<!tpu.dma_semaphore, #tpu.memory_space<semaphore_mem>>) {add = true}
      } else {
      }
      %add3A_66 = arith.constant 2 : i32
      %add3A_67 = arith.addi %mul3A_54, %add3A_66 : i32
      %lt3A_68 = arith.constant 50 : i32
      %lt3A_69 = arith.cmpi slt, %add3A_67, %lt3A_68 : i32
      %convert_element_type3A_70 = arith.extui %lt3A_69 : i1 to i32
      %cond3A_71 = arith.constant 0 : i32
      %cond3A_72 = arith.cmpi ne, %convert_element_type3A_70, %cond3A_71 : i32
      scf.if %cond3A_72 {
        %add3A_116 = arith.constant 2 : i32
        %add3A_117 = arith.addi %mul3A_54, %add3A_116 : i32
        %mul3A_118 = arith.constant 200 : i32
        %mul3A_119 = arith.muli %add3A_117, %mul3A_118 : i32
        %dma_wait3A_120 = tpu.memref_slice %arg6[%mul3A_119] : memref<10000xi32, #tpu.memory_space<vmem>> -> memref<200xi32, #tpu.memory_space<vmem>>
        %dma_wait3A_121 = arith.constant 0 : i32
        %dma_wait3A_122 = arith.constant 0 : i32
        %dma_wait3A_123 = tpu.memref_slice %arg2[%dma_wait3A_121, %dma_wait3A_122] : memref<10000x64xf32, #tpu.memory_space<hbm>> -> memref<10000x64xf32, #tpu.memory_space<hbm>>
        tpu.wait_indirect_dma semaphore(%arg15 : memref<!tpu.dma_semaphore, #tpu.memory_space<semaphore_mem>>) src(%dma_wait3A_123 : memref<10000x64xf32, #tpu.memory_space<hbm>>) dst(%arg10 : memref<200x64xf32, #tpu.memory_space<vmem>>)
        %add3A_124 = arith.constant 2 : i32
        %add3A_125 = arith.addi %mul3A_54, %add3A_124 : i32
        %mul3A_126 = arith.constant 200 : i32
        %mul3A_127 = arith.muli %add3A_125, %mul3A_126 : i32
        %dma_start3A_128 = tpu.memref_slice %arg7[%mul3A_127] : memref<10000xi32, #tpu.memory_space<vmem>> -> memref<200xi32, #tpu.memory_space<vmem>>
        %dma_start3A_129 = arith.constant 0 : i32
        %dma_start3A_130 = arith.constant 0 : i32
        %dma_start3A_131 = tpu.memref_slice %arg12[%dma_start3A_129, %dma_start3A_130] : memref<10240x64xf32, #tpu.memory_space<vmem_shared>> -> memref<10240x64xf32, #tpu.memory_space<vmem_shared>>
        tpu.enqueue_indirect_dma source(%arg10 : memref<200x64xf32, #tpu.memory_space<vmem>>) target(%dma_start3A_131 : memref<10240x64xf32, #tpu.memory_space<vmem_shared>>) offsets(%dma_start3A_128 : memref<200xi32, #tpu.memory_space<vmem>>) semaphore(%arg19 : memref<!tpu.dma_semaphore, #tpu.memory_space<semaphore_mem>>) {add = true}
      } else {
      }
      %add3A_73 = arith.constant 3 : i32
      %add3A_74 = arith.addi %mul3A_54, %add3A_73 : i32
      %lt3A_75 = arith.constant 50 : i32
      %lt3A_76 = arith.cmpi slt, %add3A_74, %lt3A_75 : i32
      %convert_element_type3A_77 = arith.extui %lt3A_76 : i1 to i32
      %cond3A_78 = arith.constant 0 : i32
      %cond3A_79 = arith.cmpi ne, %convert_element_type3A_77, %cond3A_78 : i32
      scf.if %cond3A_79 {
        %add3A_116 = arith.constant 3 : i32
        %add3A_117 = arith.addi %mul3A_54, %add3A_116 : i32
        %mul3A_118 = arith.constant 200 : i32
        %mul3A_119 = arith.muli %add3A_117, %mul3A_118 : i32
        %dma_wait3A_120 = tpu.memref_slice %arg6[%mul3A_119] : memref<10000xi32, #tpu.memory_space<vmem>> -> memref<200xi32, #tpu.memory_space<vmem>>
        %dma_wait3A_121 = arith.constant 0 : i32
        %dma_wait3A_122 = arith.constant 0 : i32
        %dma_wait3A_123 = tpu.memref_slice %arg2[%dma_wait3A_121, %dma_wait3A_122] : memref<10000x64xf32, #tpu.memory_space<hbm>> -> memref<10000x64xf32, #tpu.memory_space<hbm>>
        tpu.wait_indirect_dma semaphore(%arg16 : memref<!tpu.dma_semaphore, #tpu.memory_space<semaphore_mem>>) src(%dma_wait3A_123 : memref<10000x64xf32, #tpu.memory_space<hbm>>) dst(%arg11 : memref<200x64xf32, #tpu.memory_space<vmem>>)
        %add3A_124 = arith.constant 3 : i32
        %add3A_125 = arith.addi %mul3A_54, %add3A_124 : i32
        %mul3A_126 = arith.constant 200 : i32
        %mul3A_127 = arith.muli %add3A_125, %mul3A_126 : i32
        %dma_start3A_128 = tpu.memref_slice %arg7[%mul3A_127] : memref<10000xi32, #tpu.memory_space<vmem>> -> memref<200xi32, #tpu.memory_space<vmem>>
        %dma_start3A_129 = arith.constant 0 : i32
        %dma_start3A_130 = arith.constant 0 : i32
        %dma_start3A_131 = tpu.memref_slice %arg12[%dma_start3A_129, %dma_start3A_130] : memref<10240x64xf32, #tpu.memory_space<vmem_shared>> -> memref<10240x64xf32, #tpu.memory_space<vmem_shared>>
        tpu.enqueue_indirect_dma source(%arg11 : memref<200x64xf32, #tpu.memory_space<vmem>>) target(%dma_start3A_131 : memref<10240x64xf32, #tpu.memory_space<vmem_shared>>) offsets(%dma_start3A_128 : memref<200xi32, #tpu.memory_space<vmem>>) semaphore(%arg20 : memref<!tpu.dma_semaphore, #tpu.memory_space<semaphore_mem>>) {add = true}
      } else {
      }
      %add3A_80 = arith.constant 0 : i32
      %add3A_81 = arith.addi %mul3A_54, %add3A_80 : i32
      %add3A_82 = arith.constant 4 : i32
      %add3A_83 = arith.addi %add3A_81, %add3A_82 : i32
      %lt3A_84 = arith.constant 50 : i32
      %lt3A_85 = arith.cmpi slt, %add3A_83, %lt3A_84 : i32
      %convert_element_type3A_86 = arith.extui %lt3A_85 : i1 to i32
      %cond3A_87 = arith.constant 0 : i32
      %cond3A_88 = arith.cmpi ne, %convert_element_type3A_86, %cond3A_87 : i32
      scf.if %cond3A_88 {
        %add3A_116 = arith.constant 0 : i32
        %add3A_117 = arith.addi %mul3A_54, %add3A_116 : i32
        %mul3A_118 = arith.constant 200 : i32
        %mul3A_119 = arith.muli %add3A_117, %mul3A_118 : i32
        %dma_wait3A_120 = tpu.memref_slice %arg7[%mul3A_119] : memref<10000xi32, #tpu.memory_space<vmem>> -> memref<200xi32, #tpu.memory_space<vmem>>
        %dma_wait3A_121 = arith.constant 0 : i32
        %dma_wait3A_122 = arith.constant 0 : i32
        %dma_wait3A_123 = tpu.memref_slice %arg12[%dma_wait3A_121, %dma_wait3A_122] : memref<10240x64xf32, #tpu.memory_space<vmem_shared>> -> memref<10240x64xf32, #tpu.memory_space<vmem_shared>>
        tpu.wait_indirect_dma semaphore(%arg17 : memref<!tpu.dma_semaphore, #tpu.memory_space<semaphore_mem>>) src(%arg8 : memref<200x64xf32, #tpu.memory_space<vmem>>) dst(%dma_wait3A_123 : memref<10240x64xf32, #tpu.memory_space<vmem_shared>>)
        %add3A_124 = arith.constant 0 : i32
        %add3A_125 = arith.addi %mul3A_54, %add3A_124 : i32
        %add3A_126 = arith.constant 4 : i32
        %add3A_127 = arith.addi %add3A_125, %add3A_126 : i32
        %mul3A_128 = arith.constant 200 : i32
        %mul3A_129 = arith.muli %add3A_127, %mul3A_128 : i32
        %dma_start3A_130 = tpu.memref_slice %arg6[%mul3A_129] : memref<10000xi32, #tpu.memory_space<vmem>> -> memref<200xi32, #tpu.memory_space<vmem>>
        %dma_start3A_131 = arith.constant 0 : i32
        %dma_start3A_132 = arith.constant 0 : i32
        %dma_start3A_133 = tpu.memref_slice %arg2[%dma_start3A_131, %dma_start3A_132] : memref<10000x64xf32, #tpu.memory_space<hbm>> -> memref<10000x64xf32, #tpu.memory_space<hbm>>
        tpu.enqueue_indirect_dma source(%dma_start3A_133 : memref<10000x64xf32, #tpu.memory_space<hbm>>) target(%arg8 : memref<200x64xf32, #tpu.memory_space<vmem>>) offsets(%dma_start3A_130 : memref<200xi32, #tpu.memory_space<vmem>>) semaphore(%arg13 : memref<!tpu.dma_semaphore, #tpu.memory_space<semaphore_mem>>)
      } else {
      }
      %add3A_89 = arith.constant 1 : i32
      %add3A_90 = arith.addi %mul3A_54, %add3A_89 : i32
      %add3A_91 = arith.constant 4 : i32
      %add3A_92 = arith.addi %add3A_90, %add3A_91 : i32
      %lt3A_93 = arith.constant 50 : i32
      %lt3A_94 = arith.cmpi slt, %add3A_92, %lt3A_93 : i32
      %convert_element_type3A_95 = arith.extui %lt3A_94 : i1 to i32
      %cond3A_96 = arith.constant 0 : i32
      %cond3A_97 = arith.cmpi ne, %convert_element_type3A_95, %cond3A_96 : i32
      scf.if %cond3A_97 {
        %add3A_116 = arith.constant 1 : i32
        %add3A_117 = arith.addi %mul3A_54, %add3A_116 : i32
        %mul3A_118 = arith.constant 200 : i32
        %mul3A_119 = arith.muli %add3A_117, %mul3A_118 : i32
        %dma_wait3A_120 = tpu.memref_slice %arg7[%mul3A_119] : memref<10000xi32, #tpu.memory_space<vmem>> -> memref<200xi32, #tpu.memory_space<vmem>>
        %dma_wait3A_121 = arith.constant 0 : i32
        %dma_wait3A_122 = arith.constant 0 : i32
        %dma_wait3A_123 = tpu.memref_slice %arg12[%dma_wait3A_121, %dma_wait3A_122] : memref<10240x64xf32, #tpu.memory_space<vmem_shared>> -> memref<10240x64xf32, #tpu.memory_space<vmem_shared>>
        tpu.wait_indirect_dma semaphore(%arg18 : memref<!tpu.dma_semaphore, #tpu.memory_space<semaphore_mem>>) src(%arg9 : memref<200x64xf32, #tpu.memory_space<vmem>>) dst(%dma_wait3A_123 : memref<10240x64xf32, #tpu.memory_space<vmem_shared>>)
        %add3A_124 = arith.constant 1 : i32
        %add3A_125 = arith.addi %mul3A_54, %add3A_124 : i32
        %add3A_126 = arith.constant 4 : i32
        %add3A_127 = arith.addi %add3A_125, %add3A_126 : i32
        %mul3A_128 = arith.constant 200 : i32
        %mul3A_129 = arith.muli %add3A_127, %mul3A_128 : i32
        %dma_start3A_130 = tpu.memref_slice %arg6[%mul3A_129] : memref<10000xi32, #tpu.memory_space<vmem>> -> memref<200xi32, #tpu.memory_space<vmem>>
        %dma_start3A_131 = arith.constant 0 : i32
        %dma_start3A_132 = arith.constant 0 : i32
        %dma_start3A_133 = tpu.memref_slice %arg2[%dma_start3A_131, %dma_start3A_132] : memref<10000x64xf32, #tpu.memory_space<hbm>> -> memref<10000x64xf32, #tpu.memory_space<hbm>>
        tpu.enqueue_indirect_dma source(%dma_start3A_133 : memref<10000x64xf32, #tpu.memory_space<hbm>>) target(%arg9 : memref<200x64xf32, #tpu.memory_space<vmem>>) offsets(%dma_start3A_130 : memref<200xi32, #tpu.memory_space<vmem>>) semaphore(%arg14 : memref<!tpu.dma_semaphore, #tpu.memory_space<semaphore_mem>>)
      } else {
      }
      %add3A_98 = arith.constant 2 : i32
      %add3A_99 = arith.addi %mul3A_54, %add3A_98 : i32
      %add3A_100 = arith.constant 4 : i32
      %add3A_101 = arith.addi %add3A_99, %add3A_100 : i32
      %lt3A_102 = arith.constant 50 : i32
      %lt3A_103 = arith.cmpi slt, %add3A_101, %lt3A_102 : i32
      %convert_element_type3A_104 = arith.extui %lt3A_103 : i1 to i32
      %cond3A_105 = arith.constant 0 : i32
      %cond3A_106 = arith.cmpi ne, %convert_element_type3A_104, %cond3A_105 : i32
      scf.if %cond3A_106 {
        %add3A_116 = arith.constant 2 : i32
        %add3A_117 = arith.addi %mul3A_54, %add3A_116 : i32
        %mul3A_118 = arith.constant 200 : i32
        %mul3A_119 = arith.muli %add3A_117, %mul3A_118 : i32
        %dma_wait3A_120 = tpu.memref_slice %arg7[%mul3A_119] : memref<10000xi32, #tpu.memory_space<vmem>> -> memref<200xi32, #tpu.memory_space<vmem>>
        %dma_wait3A_121 = arith.constant 0 : i32
        %dma_wait3A_122 = arith.constant 0 : i32
        %dma_wait3A_123 = tpu.memref_slice %arg12[%dma_wait3A_121, %dma_wait3A_122] : memref<10240x64xf32, #tpu.memory_space<vmem_shared>> -> memref<10240x64xf32, #tpu.memory_space<vmem_shared>>
        tpu.wait_indirect_dma semaphore(%arg19 : memref<!tpu.dma_semaphore, #tpu.memory_space<semaphore_mem>>) src(%arg10 : memref<200x64xf32, #tpu.memory_space<vmem>>) dst(%dma_wait3A_123 : memref<10240x64xf32, #tpu.memory_space<vmem_shared>>)
        %add3A_124 = arith.constant 2 : i32
        %add3A_125 = arith.addi %mul3A_54, %add3A_124 : i32
        %add3A_126 = arith.constant 4 : i32
        %add3A_127 = arith.addi %add3A_125, %add3A_126 : i32
        %mul3A_128 = arith.constant 200 : i32
        %mul3A_129 = arith.muli %add3A_127, %mul3A_128 : i32
        %dma_start3A_130 = tpu.memref_slice %arg6[%mul3A_129] : memref<10000xi32, #tpu.memory_space<vmem>> -> memref<200xi32, #tpu.memory_space<vmem>>
        %dma_start3A_131 = arith.constant 0 : i32
        %dma_start3A_132 = arith.constant 0 : i32
        %dma_start3A_133 = tpu.memref_slice %arg2[%dma_start3A_131, %dma_start3A_132] : memref<10000x64xf32, #tpu.memory_space<hbm>> -> memref<10000x64xf32, #tpu.memory_space<hbm>>
        tpu.enqueue_indirect_dma source(%dma_start3A_133 : memref<10000x64xf32, #tpu.memory_space<hbm>>) target(%arg10 : memref<200x64xf32, #tpu.memory_space<vmem>>) offsets(%dma_start3A_130 : memref<200xi32, #tpu.memory_space<vmem>>) semaphore(%arg15 : memref<!tpu.dma_semaphore, #tpu.memory_space<semaphore_mem>>)
      } else {
      }
      %add3A_107 = arith.constant 3 : i32
      %add3A_108 = arith.addi %mul3A_54, %add3A_107 : i32
      %add3A_109 = arith.constant 4 : i32
      %add3A_110 = arith.addi %add3A_108, %add3A_109 : i32
      %lt3A_111 = arith.constant 50 : i32
      %lt3A_112 = arith.cmpi slt, %add3A_110, %lt3A_111 : i32
      %convert_element_type3A_113 = arith.extui %lt3A_112 : i1 to i32
      %cond3A_114 = arith.constant 0 : i32
      %cond3A_115 = arith.cmpi ne, %convert_element_type3A_113, %cond3A_114 : i32
      scf.if %cond3A_115 {
        %add3A_116 = arith.constant 3 : i32
        %add3A_117 = arith.addi %mul3A_54, %add3A_116 : i32
        %mul3A_118 = arith.constant 200 : i32
        %mul3A_119 = arith.muli %add3A_117, %mul3A_118 : i32
        %dma_wait3A_120 = tpu.memref_slice %arg7[%mul3A_119] : memref<10000xi32, #tpu.memory_space<vmem>> -> memref<200xi32, #tpu.memory_space<vmem>>
        %dma_wait3A_121 = arith.constant 0 : i32
        %dma_wait3A_122 = arith.constant 0 : i32
        %dma_wait3A_123 = tpu.memref_slice %arg12[%dma_wait3A_121, %dma_wait3A_122] : memref<10240x64xf32, #tpu.memory_space<vmem_shared>> -> memref<10240x64xf32, #tpu.memory_space<vmem_shared>>
        tpu.wait_indirect_dma semaphore(%arg20 : memref<!tpu.dma_semaphore, #tpu.memory_space<semaphore_mem>>) src(%arg11 : memref<200x64xf32, #tpu.memory_space<vmem>>) dst(%dma_wait3A_123 : memref<10240x64xf32, #tpu.memory_space<vmem_shared>>)
        %add3A_124 = arith.constant 3 : i32
        %add3A_125 = arith.addi %mul3A_54, %add3A_124 : i32
        %add3A_126 = arith.constant 4 : i32
        %add3A_127 = arith.addi %add3A_125, %add3A_126 : i32
        %mul3A_128 = arith.constant 200 : i32
        %mul3A_129 = arith.muli %add3A_127, %mul3A_128 : i32
        %dma_start3A_130 = tpu.memref_slice %arg6[%mul3A_129] : memref<10000xi32, #tpu.memory_space<vmem>> -> memref<200xi32, #tpu.memory_space<vmem>>
        %dma_start3A_131 = arith.constant 0 : i32
        %dma_start3A_132 = arith.constant 0 : i32
        %dma_start3A_133 = tpu.memref_slice %arg2[%dma_start3A_131, %dma_start3A_132] : memref<10000x64xf32, #tpu.memory_space<hbm>> -> memref<10000x64xf32, #tpu.memory_space<hbm>>
        tpu.enqueue_indirect_dma source(%dma_start3A_133 : memref<10000x64xf32, #tpu.memory_space<hbm>>) target(%arg11 : memref<200x64xf32, #tpu.memory_space<vmem>>) offsets(%dma_start3A_130 : memref<200xi32, #tpu.memory_space<vmem>>) semaphore(%arg16 : memref<!tpu.dma_semaphore, #tpu.memory_space<semaphore_mem>>)
      } else {
      }
    }
    %scan3A_31 = arith.constant 13 : i32
    %dma_wait3A = arith.constant 9200 : i32
    %dma_wait3A_32 = tpu.memref_slice %arg7[%dma_wait3A] : memref<10000xi32, #tpu.memory_space<vmem>> -> memref<200xi32, #tpu.memory_space<vmem>>
    %dma_wait3A_33 = arith.constant 0 : i32
    %dma_wait3A_34 = arith.constant 0 : i32
    %dma_wait3A_35 = tpu.memref_slice %arg12[%dma_wait3A_33, %dma_wait3A_34] : memref<10240x64xf32, #tpu.memory_space<vmem_shared>> -> memref<10240x64xf32, #tpu.memory_space<vmem_shared>>
    tpu.wait_indirect_dma semaphore(%arg17 : memref<!tpu.dma_semaphore, #tpu.memory_space<semaphore_mem>>) src(%arg8 : memref<200x64xf32, #tpu.memory_space<vmem>>) dst(%dma_wait3A_35 : memref<10240x64xf32, #tpu.memory_space<vmem_shared>>)
    %dma_wait3A_36 = arith.constant 9400 : i32
    %dma_wait3A_37 = tpu.memref_slice %arg7[%dma_wait3A_36] : memref<10000xi32, #tpu.memory_space<vmem>> -> memref<200xi32, #tpu.memory_space<vmem>>
    %dma_wait3A_38 = arith.constant 0 : i32
    %dma_wait3A_39 = arith.constant 0 : i32
    %dma_wait3A_40 = tpu.memref_slice %arg12[%dma_wait3A_38, %dma_wait3A_39] : memref<10240x64xf32, #tpu.memory_space<vmem_shared>> -> memref<10240x64xf32, #tpu.memory_space<vmem_shared>>
    tpu.wait_indirect_dma semaphore(%arg18 : memref<!tpu.dma_semaphore, #tpu.memory_space<semaphore_mem>>) src(%arg9 : memref<200x64xf32, #tpu.memory_space<vmem>>) dst(%dma_wait3A_40 : memref<10240x64xf32, #tpu.memory_space<vmem_shared>>)
    %dma_wait3A_41 = arith.constant 9600 : i32
    %dma_wait3A_42 = tpu.memref_slice %arg7[%dma_wait3A_41] : memref<10000xi32, #tpu.memory_space<vmem>> -> memref<200xi32, #tpu.memory_space<vmem>>
    %dma_wait3A_43 = arith.constant 0 : i32
    %dma_wait3A_44 = arith.constant 0 : i32
    %dma_wait3A_45 = tpu.memref_slice %arg12[%dma_wait3A_43, %dma_wait3A_44] : memref<10240x64xf32, #tpu.memory_space<vmem_shared>> -> memref<10240x64xf32, #tpu.memory_space<vmem_shared>>
    tpu.wait_indirect_dma semaphore(%arg19 : memref<!tpu.dma_semaphore, #tpu.memory_space<semaphore_mem>>) src(%arg10 : memref<200x64xf32, #tpu.memory_space<vmem>>) dst(%dma_wait3A_45 : memref<10240x64xf32, #tpu.memory_space<vmem_shared>>)
    %dma_wait3A_46 = arith.constant 9800 : i32
    %dma_wait3A_47 = tpu.memref_slice %arg7[%dma_wait3A_46] : memref<10000xi32, #tpu.memory_space<vmem>> -> memref<200xi32, #tpu.memory_space<vmem>>
    %dma_wait3A_48 = arith.constant 0 : i32
    %dma_wait3A_49 = arith.constant 0 : i32
    %dma_wait3A_50 = tpu.memref_slice %arg12[%dma_wait3A_48, %dma_wait3A_49] : memref<10240x64xf32, #tpu.memory_space<vmem_shared>> -> memref<10240x64xf32, #tpu.memory_space<vmem_shared>>
    tpu.wait_indirect_dma semaphore(%arg20 : memref<!tpu.dma_semaphore, #tpu.memory_space<semaphore_mem>>) src(%arg11 : memref<200x64xf32, #tpu.memory_space<vmem>>) dst(%dma_wait3A_50 : memref<10240x64xf32, #tpu.memory_space<vmem_shared>>)
    %barrier3A_51 = arith.constant 0 : index
    tpu.barrier barrier_id(%barrier3A_51)
    "tpu.region"() ({
      %run_scoped3A_52 = tpu.sem_alloc : memref<!tpu.dma_semaphore, #tpu.memory_space<semaphore_mem>>
      %dma_start3A_53 = arith.constant 0 : i32
      %dma_start3A_54 = tpu.memref_slice %arg5[%arg0, %mul3A_2, %dma_start3A_53] : memref<2x10240x64xf32, #tpu.memory_space<hbm>> -> memref<1x640x64xf32, #tpu.memory_space<hbm>>
      %dma_start3A_55 = tpu.memref_squeeze %dma_start3A_54 : memref<1x640x64xf32, #tpu.memory_space<hbm>> -> memref<640x64xf32, #tpu.memory_space<hbm>>
      %dma_start3A_56 = arith.constant 0 : i32
      %dma_start3A_57 = tpu.memref_slice %arg12[%mul3A_2, %dma_start3A_56] : memref<10240x64xf32, #tpu.memory_space<vmem_shared>> -> memref<640x64xf32, #tpu.memory_space<vmem_shared>>
      tpu.enqueue_dma source(%dma_start3A_57 : memref<640x64xf32, #tpu.memory_space<vmem_shared>>) target(%dma_start3A_55 : memref<640x64xf32, #tpu.memory_space<hbm>>) target_semaphore(%run_scoped3A_52 : memref<!tpu.dma_semaphore, #tpu.memory_space<semaphore_mem>>)
      %dma_wait3A_58 = arith.constant 0 : i32
      %dma_wait3A_59 = tpu.memref_slice %arg5[%arg0, %mul3A_2, %dma_wait3A_58] : memref<2x10240x64xf32, #tpu.memory_space<hbm>> -> memref<1x640x64xf32, #tpu.memory_space<hbm>>
      %dma_wait3A_60 = tpu.memref_squeeze %dma_wait3A_59 : memref<1x640x64xf32, #tpu.memory_space<hbm>> -> memref<640x64xf32, #tpu.memory_space<hbm>>
      %dma_wait3A_61 = arith.constant 0 : i32
      %dma_wait3A_62 = tpu.memref_slice %arg12[%mul3A_2, %dma_wait3A_61] : memref<10240x64xf32, #tpu.memory_space<vmem_shared>> -> memref<640x64xf32, #tpu.memory_space<vmem_shared>>
      tpu.wait_dma2 semaphore(%run_scoped3A_52 : memref<!tpu.dma_semaphore, #tpu.memory_space<semaphore_mem>>) src(%dma_wait3A_62 : memref<640x64xf32, #tpu.memory_space<vmem_shared>>) dst(%dma_wait3A_60 : memref<640x64xf32, #tpu.memory_space<hbm>>)
      tpu.yield
    }) : () -> ()
    return
  }
}

module attributes {stable_mosaic.version = 14 : i64} {
  func.func @_mm1_body(%arg0: i32, %arg1: memref<2000x128xf32, #tpu.memory_space<vmem>>, %arg2: memref<128x64xf32, #tpu.memory_space<vmem>>, %arg3: memref<2x2000x8xf32, #tpu.memory_space<vmem>>, %arg4: memref<2000x64xf32, #tpu.memory_space<vmem>>, %arg5: memref<2000x1xf32, #tpu.memory_space<vmem>>) attributes {dimension_semantics = [#tpu.dimension_semantics<arbitrary>], iteration_bounds = array<i64: 5>, scalar_prefetch = 0 : i64, scratch_operands = 0 : i64, tpu.core_type = #tpu.core_type<tc>, window_params = [{transform_indices = @transform_0, window_bounds = array<i64: 2000, 128>}, {pipeline_mode = #tpu.pipeline_mode<synchronous>, transform_indices = @transform_1, window_bounds = array<i64: 128, 64>}, {transform_indices = @transform_2, window_bounds = array<i64: 2, 2000, 8>}, {transform_indices = @transform_3, window_bounds = array<i64: 2000, 64>}, {transform_indices = @transform_4, window_bounds = array<i64: 2000, 1>}]} {
    %get3A = arith.constant 0 : index
    %get3A_0 = arith.constant 0 : index
    %get3A_1 = arith.constant 0 : index
    %get3A_2 = vector.load %arg3[%get3A, %get3A_0, %get3A_1] : memref<2x2000x8xf32, #tpu.memory_space<vmem>>, vector<1x2000x1xf32>
    %get3A_3 = vector.shape_cast %get3A_2 : vector<1x2000x1xf32> to vector<2000x1xf32>
    %add3A = arith.constant 1.000000e+00 : f32
    %add3A_4 = vector.broadcast %add3A : f32 to vector<2000x1xf32>
    %add3A_5 = arith.addf %add3A_4, %get3A_3 : vector<2000x1xf32>
    %get3A_6 = arith.constant 1 : index
    %get3A_7 = arith.constant 0 : index
    %get3A_8 = arith.constant 0 : index
    %get3A_9 = vector.load %arg3[%get3A_6, %get3A_7, %get3A_8] : memref<2x2000x8xf32, #tpu.memory_space<vmem>>, vector<1x2000x1xf32>
    %get3A_10 = vector.shape_cast %get3A_9 : vector<1x2000x1xf32> to vector<2000x1xf32>
    %add3A_11 = arith.addf %add3A_5, %get3A_10 : vector<2000x1xf32>
    %rsqrt3A = math.rsqrt %add3A_11 : vector<2000x1xf32>
    %get3A_12 = arith.constant 0 : index
    %get3A_13 = arith.constant 0 : index
    %get3A_14 = vector.load %arg1[%get3A_12, %get3A_13] : memref<2000x128xf32, #tpu.memory_space<vmem>>, vector<2000x128xf32>
    %get3A_15 = arith.constant 0 : index
    %get3A_16 = arith.constant 0 : index
    %get3A_17 = vector.load %arg2[%get3A_15, %get3A_16] : memref<128x64xf32, #tpu.memory_space<vmem>>, vector<128x64xf32>
    %dot_general3A = arith.constant dense<0.000000e+00> : vector<2000x64xf32>
    %dot_general3A_18 = tpu.matmul %get3A_14, %get3A_17, %dot_general3A {dimension_numbers = #tpu.dot_dimension_numbers<[1], [0], [0], [1], [0, 0, 1, 1], [], []>, transpose_lhs_hint = false} : vector<2000x128xf32>, vector<128x64xf32>, vector<2000x64xf32> -> vector<2000x64xf32>
    %mul3A = vector.broadcast %rsqrt3A : vector<2000x1xf32> to vector<2000x64xf32>
    %mul3A_19 = arith.mulf %dot_general3A_18, %mul3A : vector<2000x64xf32>
    %swap3A = arith.constant 0 : index
    %swap3A_20 = arith.constant 0 : index
    %swap3A_21 = vector.load %arg4[%swap3A, %swap3A_20] : memref<2000x64xf32, #tpu.memory_space<vmem>>, vector<2000x64xf32>
    tpu.vector_store %arg4[%swap3A, %swap3A_20], %mul3A_19 {strides = array<i32>} : memref<2000x64xf32, #tpu.memory_space<vmem>>, vector<2000x64xf32>,
    %swap3A_22 = arith.constant 0 : index
    %swap3A_23 = arith.constant 0 : index
    %swap3A_24 = vector.load %arg5[%swap3A_22, %swap3A_23] : memref<2000x1xf32, #tpu.memory_space<vmem>>, vector<2000x1xf32>
    tpu.vector_store %arg5[%swap3A_22, %swap3A_23], %rsqrt3A {strides = array<i32>} : memref<2000x1xf32, #tpu.memory_space<vmem>>, vector<2000x1xf32>,
    return
  }
  func.func @transform_0(%arg0: i32) -> (i32, i32) {
    %c0_i32 = arith.constant 0 : i32
    %c0_i32_0 = arith.constant 0 : i32
    return %arg0, %c0_i32 : i32, i32
  }
  func.func @transform_1(%arg0: i32) -> (i32, i32) {
    %c0_i32 = arith.constant 0 : i32
    %c0_i32_0 = arith.constant 0 : i32
    %c0_i32_1 = arith.constant 0 : i32
    return %c0_i32, %c0_i32_0 : i32, i32
  }
  func.func @transform_2(%arg0: i32) -> (i32, i32, i32) {
    %c0_i32 = arith.constant 0 : i32
    %c0_i32_0 = arith.constant 0 : i32
    %c0_i32_1 = arith.constant 0 : i32
    return %c0_i32, %arg0, %c0_i32_0 : i32, i32, i32
  }
  func.func @transform_3(%arg0: i32) -> (i32, i32) {
    %c0_i32 = arith.constant 0 : i32
    %c0_i32_0 = arith.constant 0 : i32
    return %arg0, %c0_i32 : i32, i32
  }
  func.func @transform_4(%arg0: i32) -> (i32, i32) {
    %c0_i32 = arith.constant 0 : i32
    %c0_i32_0 = arith.constant 0 : i32
    return %arg0, %c0_i32 : i32, i32
  }
}

module attributes {stable_mosaic.version = 14 : i64} {
  func.func @_mid_body(%arg0: i32, %arg1: memref<2000x64xf32, #tpu.memory_space<vmem>>, %arg2: memref<2x2000x64xf32, #tpu.memory_space<vmem>>, %arg3: memref<2000x1xf32, #tpu.memory_space<vmem>>, %arg4: memref<1x64xf32, #tpu.memory_space<vmem>>, %arg5: memref<2000x64xf32, #tpu.memory_space<vmem>>) attributes {dimension_semantics = [#tpu.dimension_semantics<arbitrary>], iteration_bounds = array<i64: 5>, scalar_prefetch = 0 : i64, scratch_operands = 0 : i64, tpu.core_type = #tpu.core_type<tc>, window_params = [{transform_indices = @transform_0, window_bounds = array<i64: 2000, 64>}, {transform_indices = @transform_1, window_bounds = array<i64: 2, 2000, 64>}, {transform_indices = @transform_2, window_bounds = array<i64: 2000, 1>}, {pipeline_mode = #tpu.pipeline_mode<synchronous>, transform_indices = @transform_3, window_bounds = array<i64: 1, 64>}, {transform_indices = @transform_4, window_bounds = array<i64: 2000, 64>}]} {
    %get3A = arith.constant 0 : index
    %get3A_0 = arith.constant 0 : index
    %get3A_1 = vector.load %arg3[%get3A, %get3A_0] : memref<2000x1xf32, #tpu.memory_space<vmem>>, vector<2000x1xf32>
    %get3A_2 = arith.constant 0 : index
    %get3A_3 = arith.constant 0 : index
    %get3A_4 = vector.load %arg1[%get3A_2, %get3A_3] : memref<2000x64xf32, #tpu.memory_space<vmem>>, vector<2000x64xf32>
    %get3A_5 = arith.constant 0 : index
    %get3A_6 = arith.constant 0 : index
    %get3A_7 = arith.constant 0 : index
    %get3A_8 = vector.load %arg2[%get3A_5, %get3A_6, %get3A_7] : memref<2x2000x64xf32, #tpu.memory_space<vmem>>, vector<1x2000x64xf32>
    %get3A_9 = vector.shape_cast %get3A_8 : vector<1x2000x64xf32> to vector<2000x64xf32>
    %add3A = arith.addf %get3A_4, %get3A_9 : vector<2000x64xf32>
    %get3A_10 = arith.constant 1 : index
    %get3A_11 = arith.constant 0 : index
    %get3A_12 = arith.constant 0 : index
    %get3A_13 = vector.load %arg2[%get3A_10, %get3A_11, %get3A_12] : memref<2x2000x64xf32, #tpu.memory_space<vmem>>, vector<1x2000x64xf32>
    %get3A_14 = vector.shape_cast %get3A_13 : vector<1x2000x64xf32> to vector<2000x64xf32>
    %add3A_15 = arith.addf %add3A, %get3A_14 : vector<2000x64xf32>
    %mul3A = vector.broadcast %get3A_1 : vector<2000x1xf32> to vector<2000x64xf32>
    %mul3A_16 = arith.mulf %add3A_15, %mul3A : vector<2000x64xf32>
    %get3A_17 = arith.constant 0 : index
    %get3A_18 = arith.constant 0 : index
    %get3A_19 = vector.load %arg4[%get3A_17, %get3A_18] : memref<1x64xf32, #tpu.memory_space<vmem>>, vector<1x64xf32>
    %add3A_20 = vector.broadcast %get3A_19 : vector<1x64xf32> to vector<2000x64xf32>
    %add3A_21 = arith.addf %mul3A_16, %add3A_20 : vector<2000x64xf32>
    %max3A = arith.constant 0.000000e+00 : f32
    %max3A_22 = vector.broadcast %max3A : f32 to vector<2000x64xf32>
    %max3A_23 = arith.maximumf %add3A_21, %max3A_22 : vector<2000x64xf32>
    %mul3A_24 = vector.broadcast %get3A_1 : vector<2000x1xf32> to vector<2000x64xf32>
    %mul3A_25 = arith.mulf %max3A_23, %mul3A_24 : vector<2000x64xf32>
    %swap3A = arith.constant 0 : index
    %swap3A_26 = arith.constant 0 : index
    %swap3A_27 = vector.load %arg5[%swap3A, %swap3A_26] : memref<2000x64xf32, #tpu.memory_space<vmem>>, vector<2000x64xf32>
    tpu.vector_store %arg5[%swap3A, %swap3A_26], %mul3A_25 {strides = array<i32>} : memref<2000x64xf32, #tpu.memory_space<vmem>>, vector<2000x64xf32>,
    return
  }
  func.func @transform_0(%arg0: i32) -> (i32, i32) {
    %c0_i32 = arith.constant 0 : i32
    %c0_i32_0 = arith.constant 0 : i32
    return %arg0, %c0_i32 : i32, i32
  }
  func.func @transform_1(%arg0: i32) -> (i32, i32, i32) {
    %c0_i32 = arith.constant 0 : i32
    %c0_i32_0 = arith.constant 0 : i32
    %c0_i32_1 = arith.constant 0 : i32
    return %c0_i32, %arg0, %c0_i32_0 : i32, i32, i32
  }
  func.func @transform_2(%arg0: i32) -> (i32, i32) {
    %c0_i32 = arith.constant 0 : i32
    %c0_i32_0 = arith.constant 0 : i32
    return %arg0, %c0_i32 : i32, i32
  }
  func.func @transform_3(%arg0: i32) -> (i32, i32) {
    %c0_i32 = arith.constant 0 : i32
    %c0_i32_0 = arith.constant 0 : i32
    %c0_i32_1 = arith.constant 0 : i32
    return %c0_i32, %c0_i32_0 : i32, i32
  }
  func.func @transform_4(%arg0: i32) -> (i32, i32) {
    %c0_i32 = arith.constant 0 : i32
    %c0_i32_0 = arith.constant 0 : i32
    return %arg0, %c0_i32 : i32, i32
  }
}

module attributes {stable_mosaic.version = 14 : i64} {
  func.func @_mm2_body(%arg0: i32, %arg1: memref<2000x64xf32, #tpu.memory_space<vmem>>, %arg2: memref<2x2000x64xf32, #tpu.memory_space<vmem>>, %arg3: memref<2000x1xf32, #tpu.memory_space<vmem>>, %arg4: memref<64x116xf32, #tpu.memory_space<vmem>>, %arg5: memref<1x116xf32, #tpu.memory_space<vmem>>, %arg6: memref<2000x116xf32, #tpu.memory_space<vmem>>) attributes {dimension_semantics = [#tpu.dimension_semantics<arbitrary>], iteration_bounds = array<i64: 5>, scalar_prefetch = 0 : i64, scratch_operands = 0 : i64, tpu.core_type = #tpu.core_type<tc>, window_params = [{transform_indices = @transform_0, window_bounds = array<i64: 2000, 64>}, {transform_indices = @transform_1, window_bounds = array<i64: 2, 2000, 64>}, {transform_indices = @transform_2, window_bounds = array<i64: 2000, 1>}, {pipeline_mode = #tpu.pipeline_mode<synchronous>, transform_indices = @transform_3, window_bounds = array<i64: 64, 116>}, {pipeline_mode = #tpu.pipeline_mode<synchronous>, transform_indices = @transform_4, window_bounds = array<i64: 1, 116>}, {transform_indices = @transform_5, window_bounds = array<i64: 2000, 116>}]} {
    %get3A = arith.constant 0 : index
    %get3A_0 = arith.constant 0 : index
    %get3A_1 = vector.load %arg1[%get3A, %get3A_0] : memref<2000x64xf32, #tpu.memory_space<vmem>>, vector<2000x64xf32>
    %get3A_2 = arith.constant 0 : index
    %get3A_3 = arith.constant 0 : index
    %get3A_4 = arith.constant 0 : index
    %get3A_5 = vector.load %arg2[%get3A_2, %get3A_3, %get3A_4] : memref<2x2000x64xf32, #tpu.memory_space<vmem>>, vector<1x2000x64xf32>
    %get3A_6 = vector.shape_cast %get3A_5 : vector<1x2000x64xf32> to vector<2000x64xf32>
    %add3A = arith.addf %get3A_1, %get3A_6 : vector<2000x64xf32>
    %get3A_7 = arith.constant 1 : index
    %get3A_8 = arith.constant 0 : index
    %get3A_9 = arith.constant 0 : index
    %get3A_10 = vector.load %arg2[%get3A_7, %get3A_8, %get3A_9] : memref<2x2000x64xf32, #tpu.memory_space<vmem>>, vector<1x2000x64xf32>
    %get3A_11 = vector.shape_cast %get3A_10 : vector<1x2000x64xf32> to vector<2000x64xf32>
    %add3A_12 = arith.addf %add3A, %get3A_11 : vector<2000x64xf32>
    %get3A_13 = arith.constant 0 : index
    %get3A_14 = arith.constant 0 : index
    %get3A_15 = vector.load %arg3[%get3A_13, %get3A_14] : memref<2000x1xf32, #tpu.memory_space<vmem>>, vector<2000x1xf32>
    %mul3A = vector.broadcast %get3A_15 : vector<2000x1xf32> to vector<2000x64xf32>
    %mul3A_16 = arith.mulf %add3A_12, %mul3A : vector<2000x64xf32>
    %get3A_17 = arith.constant 0 : index
    %get3A_18 = arith.constant 0 : index
    %get3A_19 = vector.load %arg4[%get3A_17, %get3A_18] : memref<64x116xf32, #tpu.memory_space<vmem>>, vector<64x116xf32>
    %dot_general3A = arith.constant dense<0.000000e+00> : vector<2000x116xf32>
    %dot_general3A_20 = tpu.matmul %mul3A_16, %get3A_19, %dot_general3A {dimension_numbers = #tpu.dot_dimension_numbers<[1], [0], [0], [1], [0, 0, 1, 1], [], []>, transpose_lhs_hint = false} : vector<2000x64xf32>, vector<64x116xf32>, vector<2000x116xf32> -> vector<2000x116xf32>
    %get3A_21 = arith.constant 0 : index
    %get3A_22 = arith.constant 0 : index
    %get3A_23 = vector.load %arg5[%get3A_21, %get3A_22] : memref<1x116xf32, #tpu.memory_space<vmem>>, vector<1x116xf32>
    %add3A_24 = vector.broadcast %get3A_23 : vector<1x116xf32> to vector<2000x116xf32>
    %add3A_25 = arith.addf %dot_general3A_20, %add3A_24 : vector<2000x116xf32>
    %swap3A = arith.constant 0 : index
    %swap3A_26 = arith.constant 0 : index
    %swap3A_27 = vector.load %arg6[%swap3A, %swap3A_26] : memref<2000x116xf32, #tpu.memory_space<vmem>>, vector<2000x116xf32>
    tpu.vector_store %arg6[%swap3A, %swap3A_26], %add3A_25 {strides = array<i32>} : memref<2000x116xf32, #tpu.memory_space<vmem>>, vector<2000x116xf32>,
    return
  }
  func.func @transform_0(%arg0: i32) -> (i32, i32) {
    %c0_i32 = arith.constant 0 : i32
    %c0_i32_0 = arith.constant 0 : i32
    return %arg0, %c0_i32 : i32, i32
  }
  func.func @transform_1(%arg0: i32) -> (i32, i32, i32) {
    %c0_i32 = arith.constant 0 : i32
    %c0_i32_0 = arith.constant 0 : i32
    %c0_i32_1 = arith.constant 0 : i32
    return %c0_i32, %arg0, %c0_i32_0 : i32, i32, i32
  }
  func.func @transform_2(%arg0: i32) -> (i32, i32) {
    %c0_i32 = arith.constant 0 : i32
    %c0_i32_0 = arith.constant 0 : i32
    return %arg0, %c0_i32 : i32, i32
  }
  func.func @transform_3(%arg0: i32) -> (i32, i32) {
    %c0_i32 = arith.constant 0 : i32
    %c0_i32_0 = arith.constant 0 : i32
    %c0_i32_1 = arith.constant 0 : i32
    return %c0_i32, %c0_i32_0 : i32, i32
  }
  func.func @transform_4(%arg0: i32) -> (i32, i32) {
    %c0_i32 = arith.constant 0 : i32
    %c0_i32_0 = arith.constant 0 : i32
    %c0_i32_1 = arith.constant 0 : i32
    return %c0_i32, %c0_i32_0 : i32, i32
  }
  func.func @transform_5(%arg0: i32) -> (i32, i32) {
    %c0_i32 = arith.constant 0 : i32
    %c0_i32_0 = arith.constant 0 : i32
    return %arg0, %c0_i32 : i32, i32
  }
}

</mosaic_0001>

<sc_bundles>
// kernel: kernel.11.cloned.1.call-start
scs
__scs_entry_jumppad:
0x0: {  	(pc) =	sbr.rel $0x88, $3  }
0x1: {  	(tag) =	ssettag $0x0;
	lr =	simm.s32 $0x1  }
0x2: {  	[smem:$0x3F9B] =	sst lr;
	_ =	strace $0xD0000000  }
0x3: {  	_ = 	snop  }
0x4: {  	_ = 	snop  }
0x5: {  	_ = 	snop  }
0x6: {  	_ = 	snop  }
0x7: {  	_ = 	snop  }
__scs_overlays_trampoline_lowered:
0x8: {  	[smem:$0x3FAA] =	sst s0  }
0x9: {  	[smem:$0x3FAB] =	sst s1  }
0xa: {  	[smem:$0x3FAC] =	sst s2  }
0xb: {  	[smem:$0x3FAD] =	sst s3  }
0xc: {  	[smem:$0x3FAE] =	sst s4  }
0xd: {  	[smem:$0x3FAF] =	sst s5  }
0xe: {  	[smem:$0x3FB0] =	sst s6  }
0xf: {  	[smem:$0x3FB1] =	sst s7  }
0x10: {  	[smem:$0x3FB2] =	sst s8  }
0x11: {  	[smem:$0x3FB3] =	sst s9;
	s0 =	simm.s32 @!p0 $0x0  }
0x12: {  	s1 =	sld [smem:$0x3F99];
	s0 =	simm.s32 @p0 $0x1  }
0x13: {  	[smem:$0x3FB4] =	sst s0;
	s0 =	simm.s32 @!p1 $0x0  }
0x14: {  	s2 =	sld [smem:$0x3F98];
	s0 =	simm.s32 @p1 $0x1  }
0x15: {  	[smem:$0x3FB5] =	sst s0;
	s0 =	simm.s32 @!p2 $0x0  }
0x16: {  	s3 =	sld [smem:$0x3FDB];
	s0 =	simm.s32 @p2 $0x1  }
0x17: {  	s4 =	simm.s32 $0x1BF5;
	[smem:$0x3FB7] =	sst s0  }
0x18: {  	s0 =	sld [smem:$0x3F9A];
	_ =	swait.ge [sflag:s4], $0x0  }
0x19: {  	s7 =	sld [smem:$0x3F9B]  }
0x1a: {  	s8 =	sadd.s32 $0xFFFFE003, lr  }
0x1b: {  	s9 =	sadd.s32 $0xFFFFFEF7, lr;
	s5 =	simm.s32 $0xFFFFFFFF;
	p2 =	slt.u32 s8, $0xFFFFF086  }
0x1c: {  	p1 =	slt.u32 s9, $0xF7A;
	s5 =	simm.s32 @!p2 $0x0  }
0x1d: {  	s5 =	simm.s32 @p1 $0x1;
	p0 =	seq.s32 s7, s2  }
0x1e: {  	s7 =	smul.u32 @!p0 $0xF7A, s2;
	p2 =	seq.s32 @!p0 s5, $0x0  }
0x1f: {  	s9 =	smul.u32 $0xF7A, s1;
	s8 =	simm.s32 @!p0 $0x1BF5;
	p2 =	por !p2, p0  }
0x20: {  	[sflag:s8] =	ssyncset.s32 @!p0 $0xFFFFF086;
	s6 =	sadd.s32 @!p0 s3, s7;
	s7 =	simm.s32 @!p0 $0x108  }
0x21: {  	s3 =	sadd.s32 s3, s9;
	s6 =	sadd.s32 @!p0 $0x88, s6;
	s7 =	simm.s32 @p2 $0x1082  }
0x22: {  	[simem:s7], [sflag:s8] =	dma.local @!p0 [hbm:s6], $0xF7A  }
0x23: {  	s9 =	sor.u32 $0xD0000000, s2;
	s6 =	simm.s32 $0x108;
	_ =	swait.ge @!p0 [sflag:s8], $0x0  }
0x24: {  	s3 =	sadd.s32 $0x88, s3;
	s6 =	simm.s32 @!p1 $0x1082;
	[sflag:s4] =	ssyncset.s32 $0xFFFFF086  }
0x25: {  	[simem:s6], [sflag:s4] =	dma.local [hbm:s3], $0xF7A  }
0x26: {  	[smem:$0x3F9B] =	sst s1;
	(tag) =	ssettag s2;
	_ =	strace s9  }
0x27: {  	s1 =	sld [smem:$0x3FAB]  }
0x28: {  	s2 =	sld [smem:$0x3FAC]  }
0x29: {  	s4 =	sld [smem:$0x3FAE]  }
0x2a: {  	p0 =	seq.s32 s5, $0x0;
	s5 =	sld [smem:$0x3FAF]  }
0x2b: {  	s6 =	sld [smem:$0x3FB0]  }
0x2c: {  	s7 =	sld [smem:$0x3FB1]  }
0x2d: {  	s3 =	simm.s32 $0x108;
	s8 =	sld [smem:$0x3FB2]  }
0x2e: {  	s3 =	simm.s32 @!p0 $0x1082;
	s9 =	sld [smem:$0x3FB3]  }
0x2f: {  	lr =	sadd.s32 s0, s3;
	s0 =	sld [smem:$0x3FAA]  }
0x30: {  	s3 =	sld [smem:$0x3FAD]  }
0x31: {  	[smem:$0x3FB6] =	sst s10  }
0x32: {  	s10 =	sld [smem:$0x3FB4];
	_ =	sdelay $0x3  }
0x33: {  	p0 =	seq.s32 s10, $0x1;
	s10 =	sld [smem:$0x3FB6];
	_ =	sdelay $0x3  }
0x34: {  	[smem:$0x3FB6] =	sst s10  }
0x35: {  	s10 =	sld [smem:$0x3FB5];
	_ =	sdelay $0x3  }
0x36: {  	p1 =	seq.s32 s10, $0x1;
	s10 =	sld [smem:$0x3FB6];
	_ =	sdelay $0x3  }
0x37: {  	[smem:$0x3FB6] =	sst s10  }
0x38: {  	s10 =	sld [smem:$0x3FB7]  }
0x39: {  	_ = 	snop;
	(pc) =	sbr.ind lr, $3  }
0x3a: {  	_ = 	snop  }
0x3b: {  	_ = 	snop  }
0x3c: {  	p2 =	seq.s32 s10, $0x1;
	s10 =	sld [smem:$0x3FB6]  }
0x3d: {  	_ =	shalt  }
0x3e: {  	_ =	shalt  }
0x3f: {  	_ =	shalt  }
0x40: {  	_ =	shalt  }
0x41: {  	_ =	shalt  }
0x42: {  	_ =	shalt  }
0x43: {  	_ =	shalt  }
0x44: {  	_ =	shalt  }
0x45: {  	_ =	shalt  }
0x46: {  	_ =	shalt  }
0x47: {  	_ =	shalt  }
0x48: {  	_ =	shalt  }
0x49: {  	_ =	shalt  }
0x4a: {  	_ =	shalt  }
0x4b: {  	_ =	shalt  }
0x4c: {  	_ =	shalt  }
0x4d: {  	_ =	shalt  }
0x4e: {  	_ =	shalt  }
0x4f: {  	_ =	shalt  }
0x50: {  	_ =	shalt  }
0x51: {  	_ =	shalt  }
0x52: {  	_ =	shalt  }
0x53: {  	_ =	shalt  }
0x54: {  	_ =	shalt  }
0x55: {  	_ =	shalt  }
0x56: {  	_ =	shalt  }
0x57: {  	_ =	shalt  }
0x58: {  	_ =	shalt  }
0x59: {  	_ =	shalt  }
0x5a: {  	_ =	shalt  }
0x5b: {  	_ =	shalt  }
0x5c: {  	_ =	shalt  }
0x5d: {  	_ =	shalt  }
0x5e: {  	_ =	shalt  }
0x5f: {  	_ =	shalt  }
0x60: {  	_ =	shalt  }
0x61: {  	_ =	shalt  }
0x62: {  	_ =	shalt  }
0x63: {  	_ =	shalt  }
0x64: {  	_ =	shalt  }
0x65: {  	_ =	shalt  }
0x66: {  	_ =	shalt  }
0x67: {  	_ =	shalt  }
0x68: {  	_ =	shalt  }
0x69: {  	_ =	shalt  }
0x6a: {  	_ =	shalt  }
0x6b: {  	_ =	shalt  }
0x6c: {  	_ =	shalt  }
0x6d: {  	_ =	shalt  }
0x6e: {  	_ =	shalt  }
0x6f: {  	_ =	shalt  }
0x70: {  	_ =	shalt  }
0x71: {  	_ =	shalt  }
0x72: {  	_ =	shalt  }
0x73: {  	_ =	shalt  }
0x74: {  	_ =	shalt  }
0x75: {  	_ =	shalt  }
0x76: {  	_ =	shalt  }
0x77: {  	_ =	shalt  }
0x78: {  	_ =	shalt  }
0x79: {  	_ =	shalt  }
0x7a: {  	_ =	shalt  }
0x7b: {  	_ =	shalt  }
0x7c: {  	_ =	shalt  }
0x7d: {  	_ =	shalt  }
0x7e: {  	_ =	shalt  }
0x7f: {  	_ =	shalt  }
0x80: {  	_ =	shalt  }
0x81: {  	_ =	shalt  }
0x82: {  	_ =	shalt  }
0x83: {  	_ =	shalt  }
0x84: {  	_ =	shalt  }
0x85: {  	_ =	shalt  }
0x86: {  	_ =	shalt  }
0x87: {  	_ =	shalt  }
.Lfunc_end0:
.L_simem_size_0:
called_computation.1_lowered:
.L_overlay_start_0:
0x88: {  	s2 =	sld [smem:$0x3FD9]  }
0x89: {  	s3 =	sld [smem:$0x3FFE];
	_ =	sdelay $0x1  }
0x8a: {  	s1 =	srdreg.scid  }
0x8b: {  	s0 =	sand.u32 $0x1, s1  }
0x8c: {  	s17 =	sshll.u32 s0, $0xA;
	s2 =	sadd.s32 s3, s2  }
0x8d: {  	s2 =	sadd.s32 s2, s17  }
0x8e: {  	[smem:$0x3FC2] =	sst s2  }
0x8f: {  	_ = 	snop  }
0x90: {  	s2 =	sld [smem:$0x3FD0];
	(tm) =	ssettm $0x1  }
0x91: {  	s18 =	sld [smem:$0x3FFB];
	_ =	sdelay $0x3  }
0x92: {  	_ =	strace s18  }
0x93: {  	s3 =	sld [smem:$0x3FFC];
	_ =	sdelay $0x3  }
0x94: {  	_ =	strace s3  }
0x95: {  	s3 =	sld [smem:$0x3FFD];
	_ =	sdelay $0x3  }
0x96: {  	_ =	strace s3  }
0x97: {  	_ =	strace $0x8FFFFFFF  }
0x98: {  	s19 =	sld [smem:$0x3FDB];
	_ =	sdelay $0x1  }
0x99: {  	s4 =	simm.s32 $_scs_section_size  }
0x9a: {  	s5 =	simm.s32 $_size__tile_overlayer_lowered;
	s6 =	simm.s32 $_tile_overlayer_lowered  }
0x9b: {  	s22 =	simm.s32 $0x1BFF;
	s21 =	sshll.u32 s6, $0x1;
	s3 =	sadd.s32 s4, s19  }
0x9c: {  	s7 =	simm.s32 $0x0;
	s20 =	sshll.u32 s5, $0x1;
	s5 =	sadd.s32 s21, s3  }
0x9d: {  	[timem:s7], [sflag:s22] =	dma.local [hbm:s5], s20  }
0x9e: {  	_ =	swait.ge [sflag:s22], s20  }
0x9f: {  	s4 =	ssub.s32 $0x0, s20;
	[sflag:s22] =	ssyncset.done $0x0  }
0xa0: {  	[sflag:s22] =	ssyncadd.s32 s4;
	_ =	sdelay $0x1  }
0xa1: {  	s23 =	simm.s32 $0x1B8B  }
0xa2: {  	_ =	swait.ge [sflag:s23], $0x1  }
0xa3: {  	[sflag:s23] =	ssyncset.done $0x0  }
0xa4: {  	s25 =	simm.s32 $0x1B8E;
	s24 =	sld [smem:$0x3FFE];
	[sflag:s23] =	ssyncadd.s32 $0xFFFFFFFF  }
0xa5: {  	s26 =	simm.s32 $execute0_lowered;
	[smem:$0x3FD2] =	sst s25  }
0xa6: {  	s5 =	sshll.u32 s26, $0x1;
	_ =	strace $0x80000049;
	[dreg:$0x1] =	wrdreg $0xFFFFFFFF  }
0xa7: {  	s28 =	simm.s32 $_size_execute0_lowered;
	s3 =	sadd.s32 s3, s5;
	[dreg:$0x0] =	wrdreg $0x0  }
0xa8: {  	s5 =	sshll.u32 s28, $0x1;
	[dreg:$0x2] =	wrdreg s3  }
0xa9: {  	[dreg:$0x3] =	wrdreg s5  }
0xaa: {  	[dreg:$0x4] =	wrdreg $0xC0  }
0xab: {  	_ =	task [dreg:s7], $0x5FFFF  }
0xac: {  	[dreg:$0x1] =	wrdreg $0xFFFFFFFF  }
0xad: {  	[dreg:$0x0] =	wrdreg $0x60  }
0xae: {  	[dreg:$0x2] =	wrdreg s24  }
0xaf: {  	[dreg:$0x3] =	wrdreg s2  }
0xb0: {  	[dreg:$0x4] =	wrdreg $0x116200  }
0xb1: {  	[dreg:$0x5] =	wrdreg $0x9  }
0xb2: {  	_ =	task.clear_ibuf [dreg:s7], $0x6FFFF;
	_ =	strace $0x90000049  }
0xb3: {  	s29 =	simm.s32 $0x9;
	_ =	strace $0x8000004B  }
0xb4: {  	_ =	swait.ge [sflag:s29], $0x1  }
0xb5: {  	[sflag:s29] =	ssyncadd.s32 $0xFFFFFFFF  }
0xb6: {  	_ =	strace $0x9000004B  }
0xb7: {  	_ =	sfence  }
0xb8: {  	s30 =	sld [smem:$0x0];
	_ =	sdelay $0x2  }
0xb9: {  	s31 =	sshll.u32 s1, $0xD;
	s1 =	sshrl.u32 s1, $0x2  }
0xba: {  	s3 =	sand.u32 $0x4000, s31;
	s1 =	sadd.s32 s1, s30  }
0xbb: {  	s0 =	sor.u32 s3, s0;
	s1 =	sshll.u32 s1, $0x11  }
0xbc: {  	s0 =	sor.u32 s1, s0  }
0xbd: {  	s0 =	sadd.s32 $0x8F2B, s0  }
0xbe: {  	[sflag:s0] =	ssyncadd.remote.s32 $0x1  }
0xbf: {  	_ =	sfence.sel $0xFFFF  }
0xc0: {  	[dreg:$0x0] =	wrdreg $0xFFFFFFFF;
	(pc) =	sbr.abs _section_cstart, $3  }
0xc1: {  	[dreg:$0x1] =	wrdreg $0xFFFFFFFF  }
0xc2: {  	_ =	task.clear_ibuf [dreg:s7], $0x2FFFF;
	_ =	strace $0x9FFFFFFF  }
0xc3: {  	(tm) =	ssettm $0x7FFFFFFF  }
tec
execute0_lowered:
.L_overlay_start_1:
0x0: {  	(tag) =	ssettag $0x1  }
0x1: {  	s0 =	rddreg [dreg:$0x0]  }
0x2: {  	s1 =	rddreg [dreg:$0x1]  }
0x3: {  	s2 =	rddreg [dreg:$0x2]  }
0x4: {  	s3 =	srdreg.scid;
	s15 =	stileid.u32;
	s10 =	simm.s32 $0x9  }
0x5: {  	s12 =	simm.s32 $0xC8;
	s13 =	simm.s32 $0x4E20;
	s14 =	simm.s32 $0x8020  }
0x6: {  	s16 =	simm.s32 $0xB220;
	s17 =	simm.s32 $0x258;
	s18 =	simm.s32 $0xE420  }
0x7: {  	s21 =	simm.s32 $0x1;
	s22 =	simm.s32 $0x2;
	s23 =	simm.s32 $0x3  }
0x8: {  	s24 =	simm.s32 $0x4;
	s28 =	simm.s32 $0x7;
	s29 =	simm.s32 $0x8  }
0x9: {  	s30 =	simm.s32 $0x4C90;
	s31 =	simm.s32 $0x4D58;
	s5 =	sand.u32 $0x1, s3  }
0xa: {  	s3 =	simm.s32 $0x0;
	s7 =	smul.u32 $0xA000, s15;
	s26 =	sshll.u32 s15, $0x6  }
0xb: {  	s4 =	sshll.u32 s5, $0x4;
	[smem:$0x7FF] =	sst s3;
	s6 =	smul.u32 $0xA0000, s5  }
0xc: {  	s5 =	ssub.s32 $0x2, s5;
	s19 =	sor.u32 $0x1C09, s26;
	s26 =	simm.s32 $0x6  }
0xd: {  	s4 =	sor.u32 s15, s4;
	_ =	strace $0x8000004A;
	s9 =	sshrl.u32 s5, $0x1  }
0xe: {  	s25 =	sshrl.u32 s7, $0x3;
	s11 =	sadd.s32 s7, s2;
	s8 =	smul.u32 $0x2710, s4  }
0xf: {  	s4 =	sadd.s32 $0x15800, s0;
	s6 =	sadd.s32 s7, s6;
	s9 =	ssub.s32 s5, s9  }
0x10: {  	s7 =	sadd.s32 s1, s25;
	s20 =	sshrl.u32 s11, $0x3;
	s8 =	sshrl.u32 s8, $0x3  }
0x11: {  	s25 =	simm.s32 $0x5;
	s6 =	sshrl.u32 s6, $0x3;
	s8 =	sadd.s32 s8, s0  }
0x12: {  	s9 =	smax.u32 s9, $0x1;
	s0 =	sadd.s32 s6, s0;
	s5 =	sadd.s32 $0x1E00, s8  }
0x13: {  	s6 =	sadd.s32 $0xBA40, s8;
	s8 =	sadd.s32 $0x29200, s0;
	s0 =	simm.s32 $0x0  }
.LBB2_1:
0x14: {  	[tilespmem:s3], [sflag:$0x9] =	stream.linear.gather [hbm4b:s5+s3], $0x2710, $0x38;
	[tilespmem:$0x1B620] =	vst v63  }
0x15: {  	_ =	swait.ge [sflag:s10], $0x2710  }
0x16: {  	[sflag:s10] =	ssyncset.done $0x0  }
0x17: {  	s1 =	simm.s32 $0x2710;
	[sflag:s10] =	ssyncadd.s32 $0xFFFFD8F0  }
0x18: {  	[tilespmem:s1], [sflag:$0x9] =	stream.linear.gather [hbm4b:s6+s3], $0x2710, $0x38;
	[tilespmem:$0x1B620] =	vst v63  }
0x19: {  	_ =	swait.ge [sflag:s10], $0x2710  }
0x1a: {  	[sflag:s10] =	ssyncset.done $0x0  }
0x1b: {  	[sflag:s10] =	ssyncadd.s32 $0xFFFFD8F0  }
0x1c: {  	[tilespmem:s13], [sflag:$0x1] =	stream.indirect.gather [hbm4b:s4+s12], $0x40, s3, s12, $0xb8;
	[tilespmem:$0x1B620] =	vst v63  }
0x1d: {  	_ = 	snop  }
0x1e: {  	[tilespmem:s14], [sflag:$0x2] =	stream.indirect.gather [hbm4b:s4+s12], $0x40, s12, s12, $0xb8;
	[tilespmem:$0x1B620] =	vst v63  }
0x1f: {  	s11 =	simm.s32 $0x190  }
0x20: {  	[tilespmem:s16], [sflag:$0x3] =	stream.indirect.gather [hbm4b:s4+s12], $0x40, s11, s12, $0xb8;
	[tilespmem:$0x1B620] =	vst v63  }
0x21: {  	_ = 	snop  }
0x22: {  	[tilespmem:s18], [sflag:$0x4] =	stream.indirect.gather [hbm4b:s4+s12], $0x40, s17, s12, $0xb8;
	[tilespmem:$0x1B620] =	vst v63  }
0x23: {  	[spmem:s20], [sflag:s19] =	dma.local [hbm:s7], $0x1400  }
0x24: {  	_ =	swait.ge [sflag:s10], $0x1400  }
0x25: {  	[sflag:s10] =	ssyncset.done $0x0  }
0x26: {  	[sflag:s10] =	ssyncadd.s32 $0xFFFFEC00  }
0x27: {  	[bflag:$0x0] =	sbarrier.arrive $0xFFFF  }
0x28: {  	_ =	swait.ge [sflag:s21], $0x3200  }
0x29: {  	[sflag:s21] =	ssyncset.done $0x0  }
0x2a: {  	s15 =	simm.s32 $0x2710;
	[sflag:s21] =	ssyncadd.s32 $0xFFFFCE00  }
0x2b: {  	[spmem:s2] =	stream.indirect.scatter.add.f32 [tilespmem:s13], [sflag:$0x5], $0x40, s15, s12, $0xb8;
	[tilespmem:$0x1B620] =	vst v63  }
0x2c: {  	_ =	swait.ge [sflag:s22], $0x3200  }
0x2d: {  	[sflag:s22] =	ssyncset.done $0x0  }
0x2e: {  	s11 =	simm.s32 $0x27D8;
	[sflag:s22] =	ssyncadd.s32 $0xFFFFCE00  }
0x2f: {  	[spmem:s2] =	stream.indirect.scatter.add.f32 [tilespmem:s14], [sflag:$0x6], $0x40, s11, s12, $0xb8;
	[tilespmem:$0x1B620] =	vst v63  }
0x30: {  	_ =	swait.ge [sflag:s23], $0x3200  }
0x31: {  	[sflag:s23] =	ssyncset.done $0x0  }
0x32: {  	s15 =	simm.s32 $0x28A0;
	[sflag:s23] =	ssyncadd.s32 $0xFFFFCE00  }
0x33: {  	[spmem:s2] =	stream.indirect.scatter.add.f32 [tilespmem:s16], [sflag:$0x7], $0x40, s15, s12, $0xb8;
	[tilespmem:$0x1B620] =	vst v63  }
0x34: {  	_ =	swait.ge [sflag:s24], $0x3200  }
0x35: {  	[sflag:s24] =	ssyncset.done $0x0  }
0x36: {  	s11 =	simm.s32 $0x2968;
	[sflag:s24] =	ssyncadd.s32 $0xFFFFCE00  }
0x37: {  	[spmem:s2] =	stream.indirect.scatter.add.f32 [tilespmem:s18], [sflag:$0x8], $0x40, s11, s12, $0xb8;
	[tilespmem:$0x1B620] =	vst v63  }
0x38: {  	_ =	swait.ge [sflag:s25], $0x3200  }
0x39: {  	[sflag:s25] =	ssyncset.done $0x0  }
0x3a: {  	s15 =	simm.s32 $0x320;
	[sflag:s25] =	ssyncadd.s32 $0xFFFFCE00  }
0x3b: {  	[tilespmem:s13], [sflag:$0x1] =	stream.indirect.gather [hbm4b:s4+s12], $0x40, s15, s12, $0xb8;
	[tilespmem:$0x1B620] =	vst v63  }
0x3c: {  	_ =	swait.ge [sflag:s26], $0x3200  }
0x3d: {  	[sflag:s26] =	ssyncset.done $0x0  }
0x3e: {  	s11 =	simm.s32 $0x3E8;
	[sflag:s26] =	ssyncadd.s32 $0xFFFFCE00  }
0x3f: {  	[tilespmem:s14], [sflag:$0x2] =	stream.indirect.gather [hbm4b:s4+s12], $0x40, s11, s12, $0xb8;
	[tilespmem:$0x1B620] =	vst v63  }
0x40: {  	_ =	swait.ge [sflag:s28], $0x3200  }
0x41: {  	[sflag:s28] =	ssyncset.done $0x0  }
0x42: {  	s15 =	simm.s32 $0x4B0;
	[sflag:s28] =	ssyncadd.s32 $0xFFFFCE00  }
0x43: {  	[tilespmem:s16], [sflag:$0x3] =	stream.indirect.gather [hbm4b:s4+s12], $0x40, s15, s12, $0xb8;
	[tilespmem:$0x1B620] =	vst v63  }
0x44: {  	_ =	swait.ge [sflag:s29], $0x3200  }
0x45: {  	[sflag:s29] =	ssyncset.done $0x0  }
0x46: {  	s1 =	simm.s32 $0xC80;
	s11 =	simm.s32 $0x578;
	[sflag:s29] =	ssyncadd.s32 $0xFFFFCE00  }
.LBB2_2:
0x47: {  	[tilespmem:s18], [sflag:$0x4] =	stream.indirect.gather [hbm4b:s4+s12], $0x40, s11, s12, $0xb8;
	[tilespmem:$0x1B620] =	vst v63  }
0x48: {  	s11 =	smov.u32 s1;
	s1 =	sadd.s32 $0xC80, s1;
	_ =	swait.ge [sflag:s21], $0x3200  }
0x49: {  	s11 =	sshra.s32 s11, $0x2;
	p0 =	sne.s32 s1, $0x8980;
	[sflag:s21] =	ssyncset.done $0x0  }
0x4a: {  	s15 =	sadd.s32 $0x2710, s11;
	[sflag:s21] =	ssyncadd.s32 $0xFFFFCE00  }
0x4b: {  	[spmem:s2] =	stream.indirect.scatter.add.f32 [tilespmem:s13], [sflag:$0x5], $0x40, s15, s12, $0xb8;
	[tilespmem:$0x1B620] =	vst v63  }
0x4c: {  	_ =	swait.ge [sflag:s22], $0x3200  }
0x4d: {  	[sflag:s22] =	ssyncset.done $0x0  }
0x4e: {  	s15 =	sadd.s32 $0x27D8, s11;
	[sflag:s22] =	ssyncadd.s32 $0xFFFFCE00  }
0x4f: {  	[spmem:s2] =	stream.indirect.scatter.add.f32 [tilespmem:s14], [sflag:$0x6], $0x40, s15, s12, $0xb8;
	[tilespmem:$0x1B620] =	vst v63  }
0x50: {  	_ =	swait.ge [sflag:s23], $0x3200  }
0x51: {  	[sflag:s23] =	ssyncset.done $0x0  }
0x52: {  	s15 =	sadd.s32 $0x28A0, s11;
	[sflag:s23] =	ssyncadd.s32 $0xFFFFCE00  }
0x53: {  	[spmem:s2] =	stream.indirect.scatter.add.f32 [tilespmem:s16], [sflag:$0x7], $0x40, s15, s12, $0xb8;
	[tilespmem:$0x1B620] =	vst v63  }
0x54: {  	_ =	swait.ge [sflag:s24], $0x3200  }
0x55: {  	[sflag:s24] =	ssyncset.done $0x0  }
0x56: {  	s15 =	sadd.s32 $0x2968, s11;
	[sflag:s24] =	ssyncadd.s32 $0xFFFFCE00  }
0x57: {  	[spmem:s2] =	stream.indirect.scatter.add.f32 [tilespmem:s18], [sflag:$0x8], $0x40, s15, s12, $0xb8;
	[tilespmem:$0x1B620] =	vst v63  }
0x58: {  	_ =	swait.ge [sflag:s25], $0x3200  }
0x59: {  	[sflag:s25] =	ssyncset.done $0x0  }
0x5a: {  	s15 =	sadd.s32 $0x320, s11;
	[sflag:s25] =	ssyncadd.s32 $0xFFFFCE00  }
0x5b: {  	[tilespmem:s13], [sflag:$0x1] =	stream.indirect.gather [hbm4b:s4+s12], $0x40, s15, s12, $0xb8;
	[tilespmem:$0x1B620] =	vst v63  }
0x5c: {  	_ =	swait.ge [sflag:s26], $0x3200  }
0x5d: {  	[sflag:s26] =	ssyncset.done $0x0  }
0x5e: {  	s15 =	sadd.s32 $0x3E8, s11;
	[sflag:s26] =	ssyncadd.s32 $0xFFFFCE00  }
0x5f: {  	[tilespmem:s14], [sflag:$0x2] =	stream.indirect.gather [hbm4b:s4+s12], $0x40, s15, s12, $0xb8;
	[tilespmem:$0x1B620] =	vst v63  }
0x60: {  	_ =	swait.ge [sflag:s28], $0x3200  }
0x61: {  	[sflag:s28] =	ssyncset.done $0x0  }
.Ltmp0:
0x62: {  	s15 =	sadd.s32 $0x4B0, s11;
	[sflag:s28] =	ssyncadd.s32 $0xFFFFCE00;
	(pc) =	sbr.rel @p0 .LBB2_2-.Ltmp0, $4  }
0x63: {  	[tilespmem:s16], [sflag:$0x3] =	stream.indirect.gather [hbm4b:s4+s12], $0x40, s15, s12, $0xb8;
	[tilespmem:$0x1B620] =	vst v63  }
0x64: {  	_ =	swait.ge [sflag:s29], $0x3200  }
0x65: {  	[sflag:s29] =	ssyncset.done $0x0  }
0x66: {  	s11 =	sadd.s32 $0x578, s11;
	[sflag:s29] =	ssyncadd.s32 $0xFFFFCE00  }
0x67: {  	[tilespmem:s18], [sflag:$0x4] =	stream.indirect.gather [hbm4b:s4+s12], $0x40, s11, s12, $0xb8;
	[tilespmem:$0x1B620] =	vst v63  }
0x68: {  	_ =	swait.ge [sflag:s21], $0x3200  }
0x69: {  	s1 =	sshra.s32 s1, $0x2;
	[sflag:s21] =	ssyncset.done $0x0  }
0x6a: {  	s15 =	sadd.s32 $0x2710, s1;
	[sflag:s21] =	ssyncadd.s32 $0xFFFFCE00  }
0x6b: {  	[spmem:s2] =	stream.indirect.scatter.add.f32 [tilespmem:s13], [sflag:$0x5], $0x40, s15, s12, $0xb8;
	[tilespmem:$0x1B620] =	vst v63  }
0x6c: {  	_ =	swait.ge [sflag:s22], $0x3200  }
0x6d: {  	[sflag:s22] =	ssyncset.done $0x0  }
0x6e: {  	s15 =	sadd.s32 $0x27D8, s1;
	[sflag:s22] =	ssyncadd.s32 $0xFFFFCE00  }
0x6f: {  	[spmem:s2] =	stream.indirect.scatter.add.f32 [tilespmem:s14], [sflag:$0x6], $0x40, s15, s12, $0xb8;
	[tilespmem:$0x1B620] =	vst v63  }
0x70: {  	_ =	swait.ge [sflag:s23], $0x3200  }
0x71: {  	[sflag:s23] =	ssyncset.done $0x0  }
0x72: {  	s15 =	sadd.s32 $0x28A0, s1;
	[sflag:s23] =	ssyncadd.s32 $0xFFFFCE00  }
0x73: {  	[spmem:s2] =	stream.indirect.scatter.add.f32 [tilespmem:s16], [sflag:$0x7], $0x40, s15, s12, $0xb8;
	[tilespmem:$0x1B620] =	vst v63  }
0x74: {  	_ =	swait.ge [sflag:s24], $0x3200  }
0x75: {  	[sflag:s24] =	ssyncset.done $0x0  }
0x76: {  	s15 =	sadd.s32 $0x2968, s1;
	[sflag:s24] =	ssyncadd.s32 $0xFFFFCE00  }
0x77: {  	[spmem:s2] =	stream.indirect.scatter.add.f32 [tilespmem:s18], [sflag:$0x8], $0x40, s15, s12, $0xb8;
	[tilespmem:$0x1B620] =	vst v63  }
0x78: {  	_ =	swait.ge [sflag:s25], $0x3200  }
0x79: {  	[sflag:s25] =	ssyncset.done $0x0  }
0x7a: {  	s15 =	sadd.s32 $0x320, s1;
	[sflag:s25] =	ssyncadd.s32 $0xFFFFCE00  }
0x7b: {  	[tilespmem:s13], [sflag:$0x1] =	stream.indirect.gather [hbm4b:s4+s12], $0x40, s15, s12, $0xb8;
	[tilespmem:$0x1B620] =	vst v63  }
0x7c: {  	_ =	swait.ge [sflag:s26], $0x3200  }
0x7d: {  	[sflag:s26] =	ssyncset.done $0x0  }
0x7e: {  	s1 =	sadd.s32 $0x3E8, s1;
	[sflag:s26] =	ssyncadd.s32 $0xFFFFCE00  }
0x7f: {  	[tilespmem:s14], [sflag:$0x2] =	stream.indirect.gather [hbm4b:s4+s12], $0x40, s1, s12, $0xb8;
	[tilespmem:$0x1B620] =	vst v63  }
0x80: {  	_ =	swait.ge [sflag:s21], $0x3200  }
0x81: {  	[sflag:s21] =	ssyncset.done $0x0  }
0x82: {  	[sflag:s21] =	ssyncadd.s32 $0xFFFFCE00  }
0x83: {  	[spmem:s2] =	stream.indirect.scatter.add.f32 [tilespmem:s13], [sflag:$0x5], $0x40, s30, s12, $0xb8;
	[tilespmem:$0x1B620] =	vst v63  }
0x84: {  	_ =	swait.ge [sflag:s22], $0x3200  }
0x85: {  	[sflag:s22] =	ssyncset.done $0x0  }
0x86: {  	[sflag:s22] =	ssyncadd.s32 $0xFFFFCE00  }
0x87: {  	[spmem:s2] =	stream.indirect.scatter.add.f32 [tilespmem:s14], [sflag:$0x6], $0x40, s31, s12, $0xb8;
	[tilespmem:$0x1B620] =	vst v63  }
0x88: {  	_ =	swait.ge [sflag:s25], $0x3200  }
0x89: {  	[sflag:s25] =	ssyncset.done $0x0  }
0x8a: {  	[sflag:s25] =	ssyncadd.s32 $0xFFFFCE00  }
0x8b: {  	_ =	swait.ge [sflag:s26], $0x3200  }
0x8c: {  	[sflag:s26] =	ssyncset.done $0x0  }
0x8d: {  	[sflag:s26] =	ssyncadd.s32 $0xFFFFCE00  }
0x8e: {  	_ =	swait.ge [sflag:s28], $0x3200  }
0x8f: {  	[sflag:s28] =	ssyncset.done $0x0  }
0x90: {  	[sflag:s28] =	ssyncadd.s32 $0xFFFFCE00  }
0x91: {  	_ =	swait.ge [sflag:s29], $0x3200  }
0x92: {  	s0 =	sadd.s32 $0x1, s0;
	[sflag:s29] =	ssyncset.done $0x0  }
0x93: {  	p0 =	sne.s32 s0, s9;
	[sflag:s29] =	ssyncadd.s32 $0xFFFFCE00  }
.Ltmp1:
0x94: {  	[bflag:$0x0] =	sbarrier.arrive $0xFFFF;
	(pc) =	sbr.rel @p0 .LBB2_1-.Ltmp1, $4  }
0x95: {  	[hbm:s8], [sflag:s19] =	dma.local [spmem:s20], $0x1400  }
0x96: {  	_ =	swait.ge [sflag:s10], $0x1400  }
0x97: {  	[sflag:s10] =	ssyncset.done $0x0  }
0x98: {  	[sflag:s10] =	ssyncadd.s32 $0xFFFFEC00  }
0x99: {  	_ =	sfence.sel $0x180000  }
0x9a: {  	[bflag:$0x0] =	sbarrier.arrive $0xFFFF  }
0x9b: {  	_ =	strace $0x9000004A  }
0x9c: {  	s0 =	stileid.u32;
	[bflag:$0x2] =	sbarrier.arrive $0xFFFF  }
0x9d: {  	p0 =	sne.s32 s0, $0x0;
	s0 =	rddreg [dreg:$0x3]  }
0x9e: {  	s0 =	sadd.s32 @!p0 $0x100000, s0  }
0x9f: {  	[sflag:s0] =	ssyncadd.tile.s32 @!p0 $0x1;
	_ =	shalt  }
.Lfunc_end2:
_tile_overlayer_lowered:
.L_overlay_start_2:
0xa0: {  	(tag) =	ssettag $0x2  }
0xa1: {  	s0 =	rddreg [dreg:$0x0];
	s2 =	stileid.u32  }
0xa2: {  	s1 =	rddreg [dreg:$0x1];
	p0 =	sne.s32 s2, $0x0  }
0xa3: {  	s3 =	rddreg [dreg:$0x2];
	[bflag:$0x3] =	sbarrier.arrive $0xFFFF;
	s2 =	simm.s32 @!p0 $0x1C09  }
0xa4: {  	[timem:s3], [sflag:s2] =	dma.local @!p0 [hbm:s0], s1  }
0xa5: {  	s0 =	simm.s32 @!p0 $0x9  }
0xa6: {  	_ =	swait.ge @!p0 [sflag:s0], s1  }
0xa7: {  	s1 =	ssub.s32 @!p0 $0x0, s1;
	[sflag:s0] =	ssyncset.done @!p0 $0x0  }
0xa8: {  	[sflag:s0] =	ssyncadd.s32 @!p0 s1  }
0xa9: {  	[bflag:$0x3] =	sbarrier.arrive $0xFFFF  }
0xaa: {  	_ =	shalt  }

// kernel: kernel.14.cloned.1.call-start
scs
__scs_entry_jumppad:
0x0: {  	(pc) =	sbr.rel $0x88, $3  }
0x1: {  	(tag) =	ssettag $0x0;
	lr =	simm.s32 $0x1  }
0x2: {  	[smem:$0x3F9B] =	sst lr;
	_ =	strace $0xD0000000  }
0x3: {  	_ = 	snop  }
0x4: {  	_ = 	snop  }
0x5: {  	_ = 	snop  }
0x6: {  	_ = 	snop  }
0x7: {  	_ = 	snop  }
__scs_overlays_trampoline_lowered:
0x8: {  	[smem:$0x3FAA] =	sst s0  }
0x9: {  	[smem:$0x3FAB] =	sst s1  }
0xa: {  	[smem:$0x3FAC] =	sst s2  }
0xb: {  	[smem:$0x3FAD] =	sst s3  }
0xc: {  	[smem:$0x3FAE] =	sst s4  }
0xd: {  	[smem:$0x3FAF] =	sst s5  }
0xe: {  	[smem:$0x3FB0] =	sst s6  }
0xf: {  	[smem:$0x3FB1] =	sst s7  }
0x10: {  	[smem:$0x3FB2] =	sst s8  }
0x11: {  	[smem:$0x3FB3] =	sst s9;
	s0 =	simm.s32 @!p0 $0x0  }
0x12: {  	s1 =	sld [smem:$0x3F99];
	s0 =	simm.s32 @p0 $0x1  }
0x13: {  	[smem:$0x3FB4] =	sst s0;
	s0 =	simm.s32 @!p1 $0x0  }
0x14: {  	s2 =	sld [smem:$0x3F98];
	s0 =	simm.s32 @p1 $0x1  }
0x15: {  	[smem:$0x3FB5] =	sst s0;
	s0 =	simm.s32 @!p2 $0x0  }
0x16: {  	s3 =	sld [smem:$0x3FDB];
	s0 =	simm.s32 @p2 $0x1  }
0x17: {  	s4 =	simm.s32 $0x1BF5;
	[smem:$0x3FB7] =	sst s0  }
0x18: {  	s0 =	sld [smem:$0x3F9A];
	_ =	swait.ge [sflag:s4], $0x0  }
0x19: {  	s7 =	sld [smem:$0x3F9B]  }
0x1a: {  	s8 =	sadd.s32 $0xFFFFE003, lr  }
0x1b: {  	s9 =	sadd.s32 $0xFFFFFEF7, lr;
	s5 =	simm.s32 $0xFFFFFFFF;
	p2 =	slt.u32 s8, $0xFFFFF086  }
0x1c: {  	p1 =	slt.u32 s9, $0xF7A;
	s5 =	simm.s32 @!p2 $0x0  }
0x1d: {  	s5 =	simm.s32 @p1 $0x1;
	p0 =	seq.s32 s7, s2  }
0x1e: {  	s7 =	smul.u32 @!p0 $0xF7A, s2;
	p2 =	seq.s32 @!p0 s5, $0x0  }
0x1f: {  	s9 =	smul.u32 $0xF7A, s1;
	s8 =	simm.s32 @!p0 $0x1BF5;
	p2 =	por !p2, p0  }
0x20: {  	[sflag:s8] =	ssyncset.s32 @!p0 $0xFFFFF086;
	s6 =	sadd.s32 @!p0 s3, s7;
	s7 =	simm.s32 @!p0 $0x108  }
0x21: {  	s3 =	sadd.s32 s3, s9;
	s6 =	sadd.s32 @!p0 $0x88, s6;
	s7 =	simm.s32 @p2 $0x1082  }
0x22: {  	[simem:s7], [sflag:s8] =	dma.local @!p0 [hbm:s6], $0xF7A  }
0x23: {  	s9 =	sor.u32 $0xD0000000, s2;
	s6 =	simm.s32 $0x108;
	_ =	swait.ge @!p0 [sflag:s8], $0x0  }
0x24: {  	s3 =	sadd.s32 $0x88, s3;
	s6 =	simm.s32 @!p1 $0x1082;
	[sflag:s4] =	ssyncset.s32 $0xFFFFF086  }
0x25: {  	[simem:s6], [sflag:s4] =	dma.local [hbm:s3], $0xF7A  }
0x26: {  	[smem:$0x3F9B] =	sst s1;
	(tag) =	ssettag s2;
	_ =	strace s9  }
0x27: {  	s1 =	sld [smem:$0x3FAB]  }
0x28: {  	s2 =	sld [smem:$0x3FAC]  }
0x29: {  	s4 =	sld [smem:$0x3FAE]  }
0x2a: {  	p0 =	seq.s32 s5, $0x0;
	s5 =	sld [smem:$0x3FAF]  }
0x2b: {  	s6 =	sld [smem:$0x3FB0]  }
0x2c: {  	s7 =	sld [smem:$0x3FB1]  }
0x2d: {  	s3 =	simm.s32 $0x108;
	s8 =	sld [smem:$0x3FB2]  }
0x2e: {  	s3 =	simm.s32 @!p0 $0x1082;
	s9 =	sld [smem:$0x3FB3]  }
0x2f: {  	lr =	sadd.s32 s0, s3;
	s0 =	sld [smem:$0x3FAA]  }
0x30: {  	s3 =	sld [smem:$0x3FAD]  }
0x31: {  	[smem:$0x3FB6] =	sst s10  }
0x32: {  	s10 =	sld [smem:$0x3FB4];
	_ =	sdelay $0x3  }
0x33: {  	p0 =	seq.s32 s10, $0x1;
	s10 =	sld [smem:$0x3FB6];
	_ =	sdelay $0x3  }
0x34: {  	[smem:$0x3FB6] =	sst s10  }
0x35: {  	s10 =	sld [smem:$0x3FB5];
	_ =	sdelay $0x3  }
0x36: {  	p1 =	seq.s32 s10, $0x1;
	s10 =	sld [smem:$0x3FB6];
	_ =	sdelay $0x3  }
0x37: {  	[smem:$0x3FB6] =	sst s10  }
0x38: {  	s10 =	sld [smem:$0x3FB7]  }
0x39: {  	_ = 	snop;
	(pc) =	sbr.ind lr, $3  }
0x3a: {  	_ = 	snop  }
0x3b: {  	_ = 	snop  }
0x3c: {  	p2 =	seq.s32 s10, $0x1;
	s10 =	sld [smem:$0x3FB6]  }
0x3d: {  	_ =	shalt  }
0x3e: {  	_ =	shalt  }
0x3f: {  	_ =	shalt  }
0x40: {  	_ =	shalt  }
0x41: {  	_ =	shalt  }
0x42: {  	_ =	shalt  }
0x43: {  	_ =	shalt  }
0x44: {  	_ =	shalt  }
0x45: {  	_ =	shalt  }
0x46: {  	_ =	shalt  }
0x47: {  	_ =	shalt  }
0x48: {  	_ =	shalt  }
0x49: {  	_ =	shalt  }
0x4a: {  	_ =	shalt  }
0x4b: {  	_ =	shalt  }
0x4c: {  	_ =	shalt  }
0x4d: {  	_ =	shalt  }
0x4e: {  	_ =	shalt  }
0x4f: {  	_ =	shalt  }
0x50: {  	_ =	shalt  }
0x51: {  	_ =	shalt  }
0x52: {  	_ =	shalt  }
0x53: {  	_ =	shalt  }
0x54: {  	_ =	shalt  }
0x55: {  	_ =	shalt  }
0x56: {  	_ =	shalt  }
0x57: {  	_ =	shalt  }
0x58: {  	_ =	shalt  }
0x59: {  	_ =	shalt  }
0x5a: {  	_ =	shalt  }
0x5b: {  	_ =	shalt  }
0x5c: {  	_ =	shalt  }
0x5d: {  	_ =	shalt  }
0x5e: {  	_ =	shalt  }
0x5f: {  	_ =	shalt  }
0x60: {  	_ =	shalt  }
0x61: {  	_ =	shalt  }
0x62: {  	_ =	shalt  }
0x63: {  	_ =	shalt  }
0x64: {  	_ =	shalt  }
0x65: {  	_ =	shalt  }
0x66: {  	_ =	shalt  }
0x67: {  	_ =	shalt  }
0x68: {  	_ =	shalt  }
0x69: {  	_ =	shalt  }
0x6a: {  	_ =	shalt  }
0x6b: {  	_ =	shalt  }
0x6c: {  	_ =	shalt  }
0x6d: {  	_ =	shalt  }
0x6e: {  	_ =	shalt  }
0x6f: {  	_ =	shalt  }
0x70: {  	_ =	shalt  }
0x71: {  	_ =	shalt  }
0x72: {  	_ =	shalt  }
0x73: {  	_ =	shalt  }
0x74: {  	_ =	shalt  }
0x75: {  	_ =	shalt  }
0x76: {  	_ =	shalt  }
0x77: {  	_ =	shalt  }
0x78: {  	_ =	shalt  }
0x79: {  	_ =	shalt  }
0x7a: {  	_ =	shalt  }
0x7b: {  	_ =	shalt  }
0x7c: {  	_ =	shalt  }
0x7d: {  	_ =	shalt  }
0x7e: {  	_ =	shalt  }
0x7f: {  	_ =	shalt  }
0x80: {  	_ =	shalt  }
0x81: {  	_ =	shalt  }
0x82: {  	_ =	shalt  }
0x83: {  	_ =	shalt  }
0x84: {  	_ =	shalt  }
0x85: {  	_ =	shalt  }
0x86: {  	_ =	shalt  }
0x87: {  	_ =	shalt  }
.Lfunc_end0:
.L_simem_size_0:
called_computation.2_lowered:
.L_overlay_start_0:
0x88: {  	s2 =	sld [smem:$0x3FD9]  }
0x89: {  	s3 =	sld [smem:$0x3FFE];
	_ =	sdelay $0x1  }
0x8a: {  	s1 =	srdreg.scid  }
0x8b: {  	s0 =	sand.u32 $0x1, s1  }
0x8c: {  	s17 =	sshll.u32 s0, $0xA;
	s2 =	sadd.s32 s3, s2  }
0x8d: {  	s2 =	sadd.s32 s2, s17  }
0x8e: {  	[smem:$0x3FC2] =	sst s2  }
0x8f: {  	_ = 	snop  }
0x90: {  	s2 =	sld [smem:$0x3FD0];
	(tm) =	ssettm $0x1  }
0x91: {  	s18 =	sld [smem:$0x3FFB];
	_ =	sdelay $0x3  }
0x92: {  	_ =	strace s18  }
0x93: {  	s3 =	sld [smem:$0x3FFC];
	_ =	sdelay $0x3  }
0x94: {  	_ =	strace s3  }
0x95: {  	s3 =	sld [smem:$0x3FFD];
	_ =	sdelay $0x3  }
0x96: {  	_ =	strace s3  }
0x97: {  	_ =	strace $0x8FFFFFFF  }
0x98: {  	s19 =	sld [smem:$0x3FDB];
	_ =	sdelay $0x1  }
0x99: {  	s4 =	simm.s32 $_scs_section_size  }
0x9a: {  	s5 =	simm.s32 $_size__tile_overlayer_lowered;
	s6 =	simm.s32 $_tile_overlayer_lowered  }
0x9b: {  	s22 =	simm.s32 $0x1BFF;
	s21 =	sshll.u32 s6, $0x1;
	s3 =	sadd.s32 s4, s19  }
0x9c: {  	s7 =	simm.s32 $0x0;
	s20 =	sshll.u32 s5, $0x1;
	s5 =	sadd.s32 s21, s3  }
0x9d: {  	[timem:s7], [sflag:s22] =	dma.local [hbm:s5], s20  }
0x9e: {  	_ =	swait.ge [sflag:s22], s20  }
0x9f: {  	s4 =	ssub.s32 $0x0, s20;
	[sflag:s22] =	ssyncset.done $0x0  }
0xa0: {  	[sflag:s22] =	ssyncadd.s32 s4;
	_ =	sdelay $0x1  }
0xa1: {  	s23 =	simm.s32 $0x1B8B  }
0xa2: {  	_ =	swait.ge [sflag:s23], $0x1  }
0xa3: {  	[sflag:s23] =	ssyncset.done $0x0  }
0xa4: {  	s25 =	simm.s32 $0x1B8E;
	s24 =	sld [smem:$0x3FFE];
	[sflag:s23] =	ssyncadd.s32 $0xFFFFFFFF  }
0xa5: {  	s26 =	simm.s32 $execute0_lowered;
	[smem:$0x3FD2] =	sst s25  }
0xa6: {  	s5 =	sshll.u32 s26, $0x1;
	_ =	strace $0x8000004C;
	[dreg:$0x1] =	wrdreg $0xFFFFFFFF  }
0xa7: {  	s28 =	simm.s32 $_size_execute0_lowered;
	s3 =	sadd.s32 s3, s5;
	[dreg:$0x0] =	wrdreg $0x0  }
0xa8: {  	s5 =	sshll.u32 s28, $0x1;
	[dreg:$0x2] =	wrdreg s3  }
0xa9: {  	[dreg:$0x3] =	wrdreg s5  }
0xaa: {  	[dreg:$0x4] =	wrdreg $0xC0  }
0xab: {  	_ =	task [dreg:s7], $0x5FFFF  }
0xac: {  	[dreg:$0x1] =	wrdreg $0xFFFFFFFF  }
0xad: {  	[dreg:$0x0] =	wrdreg $0x60  }
0xae: {  	[dreg:$0x2] =	wrdreg s24  }
0xaf: {  	[dreg:$0x3] =	wrdreg s2  }
0xb0: {  	[dreg:$0x4] =	wrdreg $0x116200  }
0xb1: {  	[dreg:$0x5] =	wrdreg $0x9  }
0xb2: {  	_ =	task.clear_ibuf [dreg:s7], $0x6FFFF;
	_ =	strace $0x9000004C  }
0xb3: {  	s29 =	simm.s32 $0x9;
	_ =	strace $0x8000004E  }
0xb4: {  	_ =	swait.ge [sflag:s29], $0x1  }
0xb5: {  	[sflag:s29] =	ssyncadd.s32 $0xFFFFFFFF  }
0xb6: {  	_ =	strace $0x9000004E  }
0xb7: {  	_ =	sfence  }
0xb8: {  	s30 =	sld [smem:$0x0];
	_ =	sdelay $0x2  }
0xb9: {  	s31 =	sshll.u32 s1, $0xD;
	s1 =	sshrl.u32 s1, $0x2  }
0xba: {  	s3 =	sand.u32 $0x4000, s31;
	s1 =	sadd.s32 s1, s30  }
0xbb: {  	s0 =	sor.u32 s3, s0;
	s1 =	sshll.u32 s1, $0x11  }
0xbc: {  	s0 =	sor.u32 s1, s0  }
0xbd: {  	s0 =	sadd.s32 $0x8F2B, s0  }
0xbe: {  	[sflag:s0] =	ssyncadd.remote.s32 $0x1  }
0xbf: {  	_ =	sfence.sel $0xFFFF  }
0xc0: {  	[dreg:$0x0] =	wrdreg $0xFFFFFFFF;
	(pc) =	sbr.abs _section_cstart, $3  }
0xc1: {  	[dreg:$0x1] =	wrdreg $0xFFFFFFFF  }
0xc2: {  	_ =	task.clear_ibuf [dreg:s7], $0x2FFFF;
	_ =	strace $0x9FFFFFFF  }
0xc3: {  	(tm) =	ssettm $0x7FFFFFFF  }
tec
execute0_lowered:
.L_overlay_start_1:
0x0: {  	(tag) =	ssettag $0x1  }
0x1: {  	s0 =	rddreg [dreg:$0x0]  }
0x2: {  	s1 =	rddreg [dreg:$0x1]  }
0x3: {  	s2 =	rddreg [dreg:$0x2]  }
0x4: {  	s3 =	srdreg.scid;
	s15 =	stileid.u32;
	s10 =	simm.s32 $0x9  }
0x5: {  	s12 =	simm.s32 $0xC8;
	s13 =	simm.s32 $0x4E20;
	s14 =	simm.s32 $0x8020  }
0x6: {  	s16 =	simm.s32 $0xB220;
	s17 =	simm.s32 $0x258;
	s18 =	simm.s32 $0xE420  }
0x7: {  	s21 =	simm.s32 $0x1;
	s22 =	simm.s32 $0x2;
	s23 =	simm.s32 $0x3  }
0x8: {  	s24 =	simm.s32 $0x4;
	s28 =	simm.s32 $0x7;
	s29 =	simm.s32 $0x8  }
0x9: {  	s30 =	simm.s32 $0x4C90;
	s31 =	simm.s32 $0x4D58;
	s5 =	sand.u32 $0x1, s3  }
0xa: {  	s3 =	simm.s32 $0x0;
	s7 =	smul.u32 $0xA000, s15;
	s26 =	sshll.u32 s15, $0x6  }
0xb: {  	s4 =	sshll.u32 s5, $0x4;
	[smem:$0x7FF] =	sst s3;
	s6 =	smul.u32 $0xA0000, s5  }
0xc: {  	s5 =	ssub.s32 $0x2, s5;
	s19 =	sor.u32 $0x1C09, s26;
	s26 =	simm.s32 $0x6  }
0xd: {  	s4 =	sor.u32 s15, s4;
	_ =	strace $0x8000004D;
	s9 =	sshrl.u32 s5, $0x1  }
0xe: {  	s25 =	sshrl.u32 s7, $0x3;
	s11 =	sadd.s32 s7, s2;
	s8 =	smul.u32 $0x2710, s4  }
0xf: {  	s4 =	sadd.s32 $0x15800, s0;
	s6 =	sadd.s32 s7, s6;
	s9 =	ssub.s32 s5, s9  }
0x10: {  	s7 =	sadd.s32 s1, s25;
	s20 =	sshrl.u32 s11, $0x3;
	s8 =	sshrl.u32 s8, $0x3  }
0x11: {  	s25 =	simm.s32 $0x5;
	s6 =	sshrl.u32 s6, $0x3;
	s8 =	sadd.s32 s8, s0  }
0x12: {  	s9 =	smax.u32 s9, $0x1;
	s0 =	sadd.s32 s6, s0;
	s5 =	sadd.s32 $0x1E00, s8  }
0x13: {  	s6 =	sadd.s32 $0xBA40, s8;
	s8 =	sadd.s32 $0x29200, s0;
	s0 =	simm.s32 $0x0  }
.LBB2_1:
0x14: {  	[tilespmem:s3], [sflag:$0x9] =	stream.linear.gather [hbm4b:s5+s3], $0x2710, $0x38;
	[tilespmem:$0x1B620] =	vst v63  }
0x15: {  	_ =	swait.ge [sflag:s10], $0x2710  }
0x16: {  	[sflag:s10] =	ssyncset.done $0x0  }
0x17: {  	s1 =	simm.s32 $0x2710;
	[sflag:s10] =	ssyncadd.s32 $0xFFFFD8F0  }
0x18: {  	[tilespmem:s1], [sflag:$0x9] =	stream.linear.gather [hbm4b:s6+s3], $0x2710, $0x38;
	[tilespmem:$0x1B620] =	vst v63  }
0x19: {  	_ =	swait.ge [sflag:s10], $0x2710  }
0x1a: {  	[sflag:s10] =	ssyncset.done $0x0  }
0x1b: {  	[sflag:s10] =	ssyncadd.s32 $0xFFFFD8F0  }
0x1c: {  	[tilespmem:s13], [sflag:$0x1] =	stream.indirect.gather [hbm4b:s4+s12], $0x40, s3, s12, $0xb8;
	[tilespmem:$0x1B620] =	vst v63  }
0x1d: {  	_ = 	snop  }
0x1e: {  	[tilespmem:s14], [sflag:$0x2] =	stream.indirect.gather [hbm4b:s4+s12], $0x40, s12, s12, $0xb8;
	[tilespmem:$0x1B620] =	vst v63  }
0x1f: {  	s11 =	simm.s32 $0x190  }
0x20: {  	[tilespmem:s16], [sflag:$0x3] =	stream.indirect.gather [hbm4b:s4+s12], $0x40, s11, s12, $0xb8;
	[tilespmem:$0x1B620] =	vst v63  }
0x21: {  	_ = 	snop  }
0x22: {  	[tilespmem:s18], [sflag:$0x4] =	stream.indirect.gather [hbm4b:s4+s12], $0x40, s17, s12, $0xb8;
	[tilespmem:$0x1B620] =	vst v63  }
0x23: {  	[spmem:s20], [sflag:s19] =	dma.local [hbm:s7], $0x1400  }
0x24: {  	_ =	swait.ge [sflag:s10], $0x1400  }
0x25: {  	[sflag:s10] =	ssyncset.done $0x0  }
0x26: {  	[sflag:s10] =	ssyncadd.s32 $0xFFFFEC00  }
0x27: {  	[bflag:$0x0] =	sbarrier.arrive $0xFFFF  }
0x28: {  	_ =	swait.ge [sflag:s21], $0x3200  }
0x29: {  	[sflag:s21] =	ssyncset.done $0x0  }
0x2a: {  	s15 =	simm.s32 $0x2710;
	[sflag:s21] =	ssyncadd.s32 $0xFFFFCE00  }
0x2b: {  	[spmem:s2] =	stream.indirect.scatter.add.f32 [tilespmem:s13], [sflag:$0x5], $0x40, s15, s12, $0xb8;
	[tilespmem:$0x1B620] =	vst v63  }
0x2c: {  	_ =	swait.ge [sflag:s22], $0x3200  }
0x2d: {  	[sflag:s22] =	ssyncset.done $0x0  }
0x2e: {  	s11 =	simm.s32 $0x27D8;
	[sflag:s22] =	ssyncadd.s32 $0xFFFFCE00  }
0x2f: {  	[spmem:s2] =	stream.indirect.scatter.add.f32 [tilespmem:s14], [sflag:$0x6], $0x40, s11, s12, $0xb8;
	[tilespmem:$0x1B620] =	vst v63  }
0x30: {  	_ =	swait.ge [sflag:s23], $0x3200  }
0x31: {  	[sflag:s23] =	ssyncset.done $0x0  }
0x32: {  	s15 =	simm.s32 $0x28A0;
	[sflag:s23] =	ssyncadd.s32 $0xFFFFCE00  }
0x33: {  	[spmem:s2] =	stream.indirect.scatter.add.f32 [tilespmem:s16], [sflag:$0x7], $0x40, s15, s12, $0xb8;
	[tilespmem:$0x1B620] =	vst v63  }
0x34: {  	_ =	swait.ge [sflag:s24], $0x3200  }
0x35: {  	[sflag:s24] =	ssyncset.done $0x0  }
0x36: {  	s11 =	simm.s32 $0x2968;
	[sflag:s24] =	ssyncadd.s32 $0xFFFFCE00  }
0x37: {  	[spmem:s2] =	stream.indirect.scatter.add.f32 [tilespmem:s18], [sflag:$0x8], $0x40, s11, s12, $0xb8;
	[tilespmem:$0x1B620] =	vst v63  }
0x38: {  	_ =	swait.ge [sflag:s25], $0x3200  }
0x39: {  	[sflag:s25] =	ssyncset.done $0x0  }
0x3a: {  	s15 =	simm.s32 $0x320;
	[sflag:s25] =	ssyncadd.s32 $0xFFFFCE00  }
0x3b: {  	[tilespmem:s13], [sflag:$0x1] =	stream.indirect.gather [hbm4b:s4+s12], $0x40, s15, s12, $0xb8;
	[tilespmem:$0x1B620] =	vst v63  }
0x3c: {  	_ =	swait.ge [sflag:s26], $0x3200  }
0x3d: {  	[sflag:s26] =	ssyncset.done $0x0  }
0x3e: {  	s11 =	simm.s32 $0x3E8;
	[sflag:s26] =	ssyncadd.s32 $0xFFFFCE00  }
0x3f: {  	[tilespmem:s14], [sflag:$0x2] =	stream.indirect.gather [hbm4b:s4+s12], $0x40, s11, s12, $0xb8;
	[tilespmem:$0x1B620] =	vst v63  }
0x40: {  	_ =	swait.ge [sflag:s28], $0x3200  }
0x41: {  	[sflag:s28] =	ssyncset.done $0x0  }
0x42: {  	s15 =	simm.s32 $0x4B0;
	[sflag:s28] =	ssyncadd.s32 $0xFFFFCE00  }
0x43: {  	[tilespmem:s16], [sflag:$0x3] =	stream.indirect.gather [hbm4b:s4+s12], $0x40, s15, s12, $0xb8;
	[tilespmem:$0x1B620] =	vst v63  }
0x44: {  	_ =	swait.ge [sflag:s29], $0x3200  }
0x45: {  	[sflag:s29] =	ssyncset.done $0x0  }
0x46: {  	s1 =	simm.s32 $0xC80;
	s11 =	simm.s32 $0x578;
	[sflag:s29] =	ssyncadd.s32 $0xFFFFCE00  }
.LBB2_2:
0x47: {  	[tilespmem:s18], [sflag:$0x4] =	stream.indirect.gather [hbm4b:s4+s12], $0x40, s11, s12, $0xb8;
	[tilespmem:$0x1B620] =	vst v63  }
0x48: {  	s11 =	smov.u32 s1;
	s1 =	sadd.s32 $0xC80, s1;
	_ =	swait.ge [sflag:s21], $0x3200  }
0x49: {  	s11 =	sshra.s32 s11, $0x2;
	p0 =	sne.s32 s1, $0x8980;
	[sflag:s21] =	ssyncset.done $0x0  }
0x4a: {  	s15 =	sadd.s32 $0x2710, s11;
	[sflag:s21] =	ssyncadd.s32 $0xFFFFCE00  }
0x4b: {  	[spmem:s2] =	stream.indirect.scatter.add.f32 [tilespmem:s13], [sflag:$0x5], $0x40, s15, s12, $0xb8;
	[tilespmem:$0x1B620] =	vst v63  }
0x4c: {  	_ =	swait.ge [sflag:s22], $0x3200  }
0x4d: {  	[sflag:s22] =	ssyncset.done $0x0  }
0x4e: {  	s15 =	sadd.s32 $0x27D8, s11;
	[sflag:s22] =	ssyncadd.s32 $0xFFFFCE00  }
0x4f: {  	[spmem:s2] =	stream.indirect.scatter.add.f32 [tilespmem:s14], [sflag:$0x6], $0x40, s15, s12, $0xb8;
	[tilespmem:$0x1B620] =	vst v63  }
0x50: {  	_ =	swait.ge [sflag:s23], $0x3200  }
0x51: {  	[sflag:s23] =	ssyncset.done $0x0  }
0x52: {  	s15 =	sadd.s32 $0x28A0, s11;
	[sflag:s23] =	ssyncadd.s32 $0xFFFFCE00  }
0x53: {  	[spmem:s2] =	stream.indirect.scatter.add.f32 [tilespmem:s16], [sflag:$0x7], $0x40, s15, s12, $0xb8;
	[tilespmem:$0x1B620] =	vst v63  }
0x54: {  	_ =	swait.ge [sflag:s24], $0x3200  }
0x55: {  	[sflag:s24] =	ssyncset.done $0x0  }
0x56: {  	s15 =	sadd.s32 $0x2968, s11;
	[sflag:s24] =	ssyncadd.s32 $0xFFFFCE00  }
0x57: {  	[spmem:s2] =	stream.indirect.scatter.add.f32 [tilespmem:s18], [sflag:$0x8], $0x40, s15, s12, $0xb8;
	[tilespmem:$0x1B620] =	vst v63  }
0x58: {  	_ =	swait.ge [sflag:s25], $0x3200  }
0x59: {  	[sflag:s25] =	ssyncset.done $0x0  }
0x5a: {  	s15 =	sadd.s32 $0x320, s11;
	[sflag:s25] =	ssyncadd.s32 $0xFFFFCE00  }
0x5b: {  	[tilespmem:s13], [sflag:$0x1] =	stream.indirect.gather [hbm4b:s4+s12], $0x40, s15, s12, $0xb8;
	[tilespmem:$0x1B620] =	vst v63  }
0x5c: {  	_ =	swait.ge [sflag:s26], $0x3200  }
0x5d: {  	[sflag:s26] =	ssyncset.done $0x0  }
0x5e: {  	s15 =	sadd.s32 $0x3E8, s11;
	[sflag:s26] =	ssyncadd.s32 $0xFFFFCE00  }
0x5f: {  	[tilespmem:s14], [sflag:$0x2] =	stream.indirect.gather [hbm4b:s4+s12], $0x40, s15, s12, $0xb8;
	[tilespmem:$0x1B620] =	vst v63  }
0x60: {  	_ =	swait.ge [sflag:s28], $0x3200  }
0x61: {  	[sflag:s28] =	ssyncset.done $0x0  }
.Ltmp0:
0x62: {  	s15 =	sadd.s32 $0x4B0, s11;
	[sflag:s28] =	ssyncadd.s32 $0xFFFFCE00;
	(pc) =	sbr.rel @p0 .LBB2_2-.Ltmp0, $4  }
0x63: {  	[tilespmem:s16], [sflag:$0x3] =	stream.indirect.gather [hbm4b:s4+s12], $0x40, s15, s12, $0xb8;
	[tilespmem:$0x1B620] =	vst v63  }
0x64: {  	_ =	swait.ge [sflag:s29], $0x3200  }
0x65: {  	[sflag:s29] =	ssyncset.done $0x0  }
0x66: {  	s11 =	sadd.s32 $0x578, s11;
	[sflag:s29] =	ssyncadd.s32 $0xFFFFCE00  }
0x67: {  	[tilespmem:s18], [sflag:$0x4] =	stream.indirect.gather [hbm4b:s4+s12], $0x40, s11, s12, $0xb8;
	[tilespmem:$0x1B620] =	vst v63  }
0x68: {  	_ =	swait.ge [sflag:s21], $0x3200  }
0x69: {  	s1 =	sshra.s32 s1, $0x2;
	[sflag:s21] =	ssyncset.done $0x0  }
0x6a: {  	s15 =	sadd.s32 $0x2710, s1;
	[sflag:s21] =	ssyncadd.s32 $0xFFFFCE00  }
0x6b: {  	[spmem:s2] =	stream.indirect.scatter.add.f32 [tilespmem:s13], [sflag:$0x5], $0x40, s15, s12, $0xb8;
	[tilespmem:$0x1B620] =	vst v63  }
0x6c: {  	_ =	swait.ge [sflag:s22], $0x3200  }
0x6d: {  	[sflag:s22] =	ssyncset.done $0x0  }
0x6e: {  	s15 =	sadd.s32 $0x27D8, s1;
	[sflag:s22] =	ssyncadd.s32 $0xFFFFCE00  }
0x6f: {  	[spmem:s2] =	stream.indirect.scatter.add.f32 [tilespmem:s14], [sflag:$0x6], $0x40, s15, s12, $0xb8;
	[tilespmem:$0x1B620] =	vst v63  }
0x70: {  	_ =	swait.ge [sflag:s23], $0x3200  }
0x71: {  	[sflag:s23] =	ssyncset.done $0x0  }
0x72: {  	s15 =	sadd.s32 $0x28A0, s1;
	[sflag:s23] =	ssyncadd.s32 $0xFFFFCE00  }
0x73: {  	[spmem:s2] =	stream.indirect.scatter.add.f32 [tilespmem:s16], [sflag:$0x7], $0x40, s15, s12, $0xb8;
	[tilespmem:$0x1B620] =	vst v63  }
0x74: {  	_ =	swait.ge [sflag:s24], $0x3200  }
0x75: {  	[sflag:s24] =	ssyncset.done $0x0  }
0x76: {  	s15 =	sadd.s32 $0x2968, s1;
	[sflag:s24] =	ssyncadd.s32 $0xFFFFCE00  }
0x77: {  	[spmem:s2] =	stream.indirect.scatter.add.f32 [tilespmem:s18], [sflag:$0x8], $0x40, s15, s12, $0xb8;
	[tilespmem:$0x1B620] =	vst v63  }
0x78: {  	_ =	swait.ge [sflag:s25], $0x3200  }
0x79: {  	[sflag:s25] =	ssyncset.done $0x0  }
0x7a: {  	s15 =	sadd.s32 $0x320, s1;
	[sflag:s25] =	ssyncadd.s32 $0xFFFFCE00  }
0x7b: {  	[tilespmem:s13], [sflag:$0x1] =	stream.indirect.gather [hbm4b:s4+s12], $0x40, s15, s12, $0xb8;
	[tilespmem:$0x1B620] =	vst v63  }
0x7c: {  	_ =	swait.ge [sflag:s26], $0x3200  }
0x7d: {  	[sflag:s26] =	ssyncset.done $0x0  }
0x7e: {  	s1 =	sadd.s32 $0x3E8, s1;
	[sflag:s26] =	ssyncadd.s32 $0xFFFFCE00  }
0x7f: {  	[tilespmem:s14], [sflag:$0x2] =	stream.indirect.gather [hbm4b:s4+s12], $0x40, s1, s12, $0xb8;
	[tilespmem:$0x1B620] =	vst v63  }
0x80: {  	_ =	swait.ge [sflag:s21], $0x3200  }
0x81: {  	[sflag:s21] =	ssyncset.done $0x0  }
0x82: {  	[sflag:s21] =	ssyncadd.s32 $0xFFFFCE00  }
0x83: {  	[spmem:s2] =	stream.indirect.scatter.add.f32 [tilespmem:s13], [sflag:$0x5], $0x40, s30, s12, $0xb8;
	[tilespmem:$0x1B620] =	vst v63  }
0x84: {  	_ =	swait.ge [sflag:s22], $0x3200  }
0x85: {  	[sflag:s22] =	ssyncset.done $0x0  }
0x86: {  	[sflag:s22] =	ssyncadd.s32 $0xFFFFCE00  }
0x87: {  	[spmem:s2] =	stream.indirect.scatter.add.f32 [tilespmem:s14], [sflag:$0x6], $0x40, s31, s12, $0xb8;
	[tilespmem:$0x1B620] =	vst v63  }
0x88: {  	_ =	swait.ge [sflag:s25], $0x3200  }
0x89: {  	[sflag:s25] =	ssyncset.done $0x0  }
0x8a: {  	[sflag:s25] =	ssyncadd.s32 $0xFFFFCE00  }
0x8b: {  	_ =	swait.ge [sflag:s26], $0x3200  }
0x8c: {  	[sflag:s26] =	ssyncset.done $0x0  }
0x8d: {  	[sflag:s26] =	ssyncadd.s32 $0xFFFFCE00  }
0x8e: {  	_ =	swait.ge [sflag:s28], $0x3200  }
0x8f: {  	[sflag:s28] =	ssyncset.done $0x0  }
0x90: {  	[sflag:s28] =	ssyncadd.s32 $0xFFFFCE00  }
0x91: {  	_ =	swait.ge [sflag:s29], $0x3200  }
0x92: {  	s0 =	sadd.s32 $0x1, s0;
	[sflag:s29] =	ssyncset.done $0x0  }
0x93: {  	p0 =	sne.s32 s0, s9;
	[sflag:s29] =	ssyncadd.s32 $0xFFFFCE00  }
.Ltmp1:
0x94: {  	[bflag:$0x0] =	sbarrier.arrive $0xFFFF;
	(pc) =	sbr.rel @p0 .LBB2_1-.Ltmp1, $4  }
0x95: {  	[hbm:s8], [sflag:s19] =	dma.local [spmem:s20], $0x1400  }
0x96: {  	_ =	swait.ge [sflag:s10], $0x1400  }
0x97: {  	[sflag:s10] =	ssyncset.done $0x0  }
0x98: {  	[sflag:s10] =	ssyncadd.s32 $0xFFFFEC00  }
0x99: {  	_ =	sfence.sel $0x180000  }
0x9a: {  	[bflag:$0x0] =	sbarrier.arrive $0xFFFF  }
0x9b: {  	_ =	strace $0x9000004D  }
0x9c: {  	s0 =	stileid.u32;
	[bflag:$0x2] =	sbarrier.arrive $0xFFFF  }
0x9d: {  	p0 =	sne.s32 s0, $0x0;
	s0 =	rddreg [dreg:$0x3]  }
0x9e: {  	s0 =	sadd.s32 @!p0 $0x100000, s0  }
0x9f: {  	[sflag:s0] =	ssyncadd.tile.s32 @!p0 $0x1;
	_ =	shalt  }
.Lfunc_end2:
_tile_overlayer_lowered:
.L_overlay_start_2:
0xa0: {  	(tag) =	ssettag $0x2  }
0xa1: {  	s0 =	rddreg [dreg:$0x0];
	s2 =	stileid.u32  }
0xa2: {  	s1 =	rddreg [dreg:$0x1];
	p0 =	sne.s32 s2, $0x0  }
0xa3: {  	s3 =	rddreg [dreg:$0x2];
	[bflag:$0x3] =	sbarrier.arrive $0xFFFF;
	s2 =	simm.s32 @!p0 $0x1C09  }
0xa4: {  	[timem:s3], [sflag:s2] =	dma.local @!p0 [hbm:s0], s1  }
0xa5: {  	s0 =	simm.s32 @!p0 $0x9  }
0xa6: {  	_ =	swait.ge @!p0 [sflag:s0], s1  }
0xa7: {  	s1 =	ssub.s32 @!p0 $0x0, s1;
	[sflag:s0] =	ssyncset.done @!p0 $0x0  }
0xa8: {  	[sflag:s0] =	ssyncadd.s32 @!p0 s1  }
0xa9: {  	[bflag:$0x3] =	sbarrier.arrive $0xFFFF  }
0xaa: {  	_ =	shalt  }

// kernel: kernel.8.cloned.1.call-start
scs
__scs_entry_jumppad:
0x0: {  	(pc) =	sbr.rel $0x88, $3  }
0x1: {  	(tag) =	ssettag $0x0;
	lr =	simm.s32 $0x1  }
0x2: {  	[smem:$0x3F9B] =	sst lr;
	_ =	strace $0xD0000000  }
0x3: {  	_ = 	snop  }
0x4: {  	_ = 	snop  }
0x5: {  	_ = 	snop  }
0x6: {  	_ = 	snop  }
0x7: {  	_ = 	snop  }
__scs_overlays_trampoline_lowered:
0x8: {  	[smem:$0x3FAA] =	sst s0  }
0x9: {  	[smem:$0x3FAB] =	sst s1  }
0xa: {  	[smem:$0x3FAC] =	sst s2  }
0xb: {  	[smem:$0x3FAD] =	sst s3  }
0xc: {  	[smem:$0x3FAE] =	sst s4  }
0xd: {  	[smem:$0x3FAF] =	sst s5  }
0xe: {  	[smem:$0x3FB0] =	sst s6  }
0xf: {  	[smem:$0x3FB1] =	sst s7  }
0x10: {  	[smem:$0x3FB2] =	sst s8  }
0x11: {  	[smem:$0x3FB3] =	sst s9;
	s0 =	simm.s32 @!p0 $0x0  }
0x12: {  	s1 =	sld [smem:$0x3F99];
	s0 =	simm.s32 @p0 $0x1  }
0x13: {  	[smem:$0x3FB4] =	sst s0;
	s0 =	simm.s32 @!p1 $0x0  }
0x14: {  	s2 =	sld [smem:$0x3F98];
	s0 =	simm.s32 @p1 $0x1  }
0x15: {  	[smem:$0x3FB5] =	sst s0;
	s0 =	simm.s32 @!p2 $0x0  }
0x16: {  	s3 =	sld [smem:$0x3FDB];
	s0 =	simm.s32 @p2 $0x1  }
0x17: {  	s4 =	simm.s32 $0x1BF5;
	[smem:$0x3FB7] =	sst s0  }
0x18: {  	s0 =	sld [smem:$0x3F9A];
	_ =	swait.ge [sflag:s4], $0x0  }
0x19: {  	s7 =	sld [smem:$0x3F9B]  }
0x1a: {  	s8 =	sadd.s32 $0xFFFFE003, lr  }
0x1b: {  	s9 =	sadd.s32 $0xFFFFFEF7, lr;
	s5 =	simm.s32 $0xFFFFFFFF;
	p2 =	slt.u32 s8, $0xFFFFF086  }
0x1c: {  	p1 =	slt.u32 s9, $0xF7A;
	s5 =	simm.s32 @!p2 $0x0  }
0x1d: {  	s5 =	simm.s32 @p1 $0x1;
	p0 =	seq.s32 s7, s2  }
0x1e: {  	s7 =	smul.u32 @!p0 $0xF7A, s2;
	p2 =	seq.s32 @!p0 s5, $0x0  }
0x1f: {  	s9 =	smul.u32 $0xF7A, s1;
	s8 =	simm.s32 @!p0 $0x1BF5;
	p2 =	por !p2, p0  }
0x20: {  	[sflag:s8] =	ssyncset.s32 @!p0 $0xFFFFF086;
	s6 =	sadd.s32 @!p0 s3, s7;
	s7 =	simm.s32 @!p0 $0x108  }
0x21: {  	s3 =	sadd.s32 s3, s9;
	s6 =	sadd.s32 @!p0 $0x88, s6;
	s7 =	simm.s32 @p2 $0x1082  }
0x22: {  	[simem:s7], [sflag:s8] =	dma.local @!p0 [hbm:s6], $0xF7A  }
0x23: {  	s9 =	sor.u32 $0xD0000000, s2;
	s6 =	simm.s32 $0x108;
	_ =	swait.ge @!p0 [sflag:s8], $0x0  }
0x24: {  	s3 =	sadd.s32 $0x88, s3;
	s6 =	simm.s32 @!p1 $0x1082;
	[sflag:s4] =	ssyncset.s32 $0xFFFFF086  }
0x25: {  	[simem:s6], [sflag:s4] =	dma.local [hbm:s3], $0xF7A  }
0x26: {  	[smem:$0x3F9B] =	sst s1;
	(tag) =	ssettag s2;
	_ =	strace s9  }
0x27: {  	s1 =	sld [smem:$0x3FAB]  }
0x28: {  	s2 =	sld [smem:$0x3FAC]  }
0x29: {  	s4 =	sld [smem:$0x3FAE]  }
0x2a: {  	p0 =	seq.s32 s5, $0x0;
	s5 =	sld [smem:$0x3FAF]  }
0x2b: {  	s6 =	sld [smem:$0x3FB0]  }
0x2c: {  	s7 =	sld [smem:$0x3FB1]  }
0x2d: {  	s3 =	simm.s32 $0x108;
	s8 =	sld [smem:$0x3FB2]  }
0x2e: {  	s3 =	simm.s32 @!p0 $0x1082;
	s9 =	sld [smem:$0x3FB3]  }
0x2f: {  	lr =	sadd.s32 s0, s3;
	s0 =	sld [smem:$0x3FAA]  }
0x30: {  	s3 =	sld [smem:$0x3FAD]  }
0x31: {  	[smem:$0x3FB6] =	sst s10  }
0x32: {  	s10 =	sld [smem:$0x3FB4];
	_ =	sdelay $0x3  }
0x33: {  	p0 =	seq.s32 s10, $0x1;
	s10 =	sld [smem:$0x3FB6];
	_ =	sdelay $0x3  }
0x34: {  	[smem:$0x3FB6] =	sst s10  }
0x35: {  	s10 =	sld [smem:$0x3FB5];
	_ =	sdelay $0x3  }
0x36: {  	p1 =	seq.s32 s10, $0x1;
	s10 =	sld [smem:$0x3FB6];
	_ =	sdelay $0x3  }
0x37: {  	[smem:$0x3FB6] =	sst s10  }
0x38: {  	s10 =	sld [smem:$0x3FB7]  }
0x39: {  	_ = 	snop;
	(pc) =	sbr.ind lr, $3  }
0x3a: {  	_ = 	snop  }
0x3b: {  	_ = 	snop  }
0x3c: {  	p2 =	seq.s32 s10, $0x1;
	s10 =	sld [smem:$0x3FB6]  }
0x3d: {  	_ =	shalt  }
0x3e: {  	_ =	shalt  }
0x3f: {  	_ =	shalt  }
0x40: {  	_ =	shalt  }
0x41: {  	_ =	shalt  }
0x42: {  	_ =	shalt  }
0x43: {  	_ =	shalt  }
0x44: {  	_ =	shalt  }
0x45: {  	_ =	shalt  }
0x46: {  	_ =	shalt  }
0x47: {  	_ =	shalt  }
0x48: {  	_ =	shalt  }
0x49: {  	_ =	shalt  }
0x4a: {  	_ =	shalt  }
0x4b: {  	_ =	shalt  }
0x4c: {  	_ =	shalt  }
0x4d: {  	_ =	shalt  }
0x4e: {  	_ =	shalt  }
0x4f: {  	_ =	shalt  }
0x50: {  	_ =	shalt  }
0x51: {  	_ =	shalt  }
0x52: {  	_ =	shalt  }
0x53: {  	_ =	shalt  }
0x54: {  	_ =	shalt  }
0x55: {  	_ =	shalt  }
0x56: {  	_ =	shalt  }
0x57: {  	_ =	shalt  }
0x58: {  	_ =	shalt  }
0x59: {  	_ =	shalt  }
0x5a: {  	_ =	shalt  }
0x5b: {  	_ =	shalt  }
0x5c: {  	_ =	shalt  }
0x5d: {  	_ =	shalt  }
0x5e: {  	_ =	shalt  }
0x5f: {  	_ =	shalt  }
0x60: {  	_ =	shalt  }
0x61: {  	_ =	shalt  }
0x62: {  	_ =	shalt  }
0x63: {  	_ =	shalt  }
0x64: {  	_ =	shalt  }
0x65: {  	_ =	shalt  }
0x66: {  	_ =	shalt  }
0x67: {  	_ =	shalt  }
0x68: {  	_ =	shalt  }
0x69: {  	_ =	shalt  }
0x6a: {  	_ =	shalt  }
0x6b: {  	_ =	shalt  }
0x6c: {  	_ =	shalt  }
0x6d: {  	_ =	shalt  }
0x6e: {  	_ =	shalt  }
0x6f: {  	_ =	shalt  }
0x70: {  	_ =	shalt  }
0x71: {  	_ =	shalt  }
0x72: {  	_ =	shalt  }
0x73: {  	_ =	shalt  }
0x74: {  	_ =	shalt  }
0x75: {  	_ =	shalt  }
0x76: {  	_ =	shalt  }
0x77: {  	_ =	shalt  }
0x78: {  	_ =	shalt  }
0x79: {  	_ =	shalt  }
0x7a: {  	_ =	shalt  }
0x7b: {  	_ =	shalt  }
0x7c: {  	_ =	shalt  }
0x7d: {  	_ =	shalt  }
0x7e: {  	_ =	shalt  }
0x7f: {  	_ =	shalt  }
0x80: {  	_ =	shalt  }
0x81: {  	_ =	shalt  }
0x82: {  	_ =	shalt  }
0x83: {  	_ =	shalt  }
0x84: {  	_ =	shalt  }
0x85: {  	_ =	shalt  }
0x86: {  	_ =	shalt  }
0x87: {  	_ =	shalt  }
.Lfunc_end0:
.L_simem_size_0:
called_computation_lowered:
.L_overlay_start_0:
0x88: {  	s2 =	sld [smem:$0x3FD9]  }
0x89: {  	s3 =	sld [smem:$0x3FFE];
	_ =	sdelay $0x1  }
0x8a: {  	s1 =	srdreg.scid  }
0x8b: {  	s0 =	sand.u32 $0x1, s1  }
0x8c: {  	s17 =	sshll.u32 s0, $0xA;
	s2 =	sadd.s32 s3, s2  }
0x8d: {  	s2 =	sadd.s32 s2, s17  }
0x8e: {  	[smem:$0x3FC2] =	sst s2  }
0x8f: {  	_ = 	snop  }
0x90: {  	s2 =	sld [smem:$0x3FD0];
	(tm) =	ssettm $0x1  }
0x91: {  	s18 =	sld [smem:$0x3FFB];
	_ =	sdelay $0x3  }
0x92: {  	_ =	strace s18  }
0x93: {  	s3 =	sld [smem:$0x3FFC];
	_ =	sdelay $0x3  }
0x94: {  	_ =	strace s3  }
0x95: {  	s3 =	sld [smem:$0x3FFD];
	_ =	sdelay $0x3  }
0x96: {  	_ =	strace s3  }
0x97: {  	_ =	strace $0x8FFFFFFF  }
0x98: {  	s19 =	sld [smem:$0x3FDB];
	_ =	sdelay $0x1  }
0x99: {  	s4 =	simm.s32 $_scs_section_size  }
0x9a: {  	s5 =	simm.s32 $_size__tile_overlayer_lowered;
	s6 =	simm.s32 $_tile_overlayer_lowered  }
0x9b: {  	s22 =	simm.s32 $0x1BFF;
	s21 =	sshll.u32 s6, $0x1;
	s3 =	sadd.s32 s4, s19  }
0x9c: {  	s7 =	simm.s32 $0x0;
	s20 =	sshll.u32 s5, $0x1;
	s5 =	sadd.s32 s21, s3  }
0x9d: {  	[timem:s7], [sflag:s22] =	dma.local [hbm:s5], s20  }
0x9e: {  	_ =	swait.ge [sflag:s22], s20  }
0x9f: {  	s4 =	ssub.s32 $0x0, s20;
	[sflag:s22] =	ssyncset.done $0x0  }
0xa0: {  	[sflag:s22] =	ssyncadd.s32 s4;
	_ =	sdelay $0x1  }
0xa1: {  	s23 =	simm.s32 $0x1B8B  }
0xa2: {  	_ =	swait.ge [sflag:s23], $0x1  }
0xa3: {  	[sflag:s23] =	ssyncset.done $0x0  }
0xa4: {  	s25 =	simm.s32 $0x1B8E;
	s24 =	sld [smem:$0x3FFE];
	[sflag:s23] =	ssyncadd.s32 $0xFFFFFFFF  }
0xa5: {  	s26 =	simm.s32 $execute0_lowered;
	[smem:$0x3FD2] =	sst s25  }
0xa6: {  	s5 =	sshll.u32 s26, $0x1;
	_ =	strace $0x80000046;
	[dreg:$0x1] =	wrdreg $0xFFFFFFFF  }
0xa7: {  	s28 =	simm.s32 $_size_execute0_lowered;
	s3 =	sadd.s32 s3, s5;
	[dreg:$0x0] =	wrdreg $0x0  }
0xa8: {  	s5 =	sshll.u32 s28, $0x1;
	[dreg:$0x2] =	wrdreg s3  }
0xa9: {  	[dreg:$0x3] =	wrdreg s5  }
0xaa: {  	[dreg:$0x4] =	wrdreg $0xC0  }
0xab: {  	_ =	task [dreg:s7], $0x5FFFF  }
0xac: {  	[dreg:$0x1] =	wrdreg $0xFFFFFFFF  }
0xad: {  	[dreg:$0x0] =	wrdreg $0x60  }
0xae: {  	[dreg:$0x2] =	wrdreg s24  }
0xaf: {  	[dreg:$0x3] =	wrdreg s2  }
0xb0: {  	[dreg:$0x4] =	wrdreg $0x2D500  }
0xb1: {  	[dreg:$0x5] =	wrdreg $0x9  }
0xb2: {  	_ =	task.clear_ibuf [dreg:s7], $0x6FFFF;
	_ =	strace $0x90000046  }
0xb3: {  	s29 =	simm.s32 $0x9;
	_ =	strace $0x80000048  }
0xb4: {  	_ =	swait.ge [sflag:s29], $0x1  }
0xb5: {  	[sflag:s29] =	ssyncadd.s32 $0xFFFFFFFF  }
0xb6: {  	_ =	strace $0x90000048  }
0xb7: {  	_ =	sfence  }
0xb8: {  	s30 =	sld [smem:$0x0];
	_ =	sdelay $0x2  }
0xb9: {  	s31 =	sshll.u32 s1, $0xD;
	s1 =	sshrl.u32 s1, $0x2  }
0xba: {  	s3 =	sand.u32 $0x4000, s31;
	s1 =	sadd.s32 s1, s30  }
0xbb: {  	s0 =	sor.u32 s3, s0;
	s1 =	sshll.u32 s1, $0x11  }
0xbc: {  	s0 =	sor.u32 s1, s0  }
0xbd: {  	s0 =	sadd.s32 $0x8F2B, s0  }
0xbe: {  	[sflag:s0] =	ssyncadd.remote.s32 $0x1  }
0xbf: {  	_ =	sfence.sel $0xFFFF  }
0xc0: {  	[dreg:$0x0] =	wrdreg $0xFFFFFFFF;
	(pc) =	sbr.abs _section_cstart, $3  }
0xc1: {  	[dreg:$0x1] =	wrdreg $0xFFFFFFFF  }
0xc2: {  	_ =	task.clear_ibuf [dreg:s7], $0x2FFFF;
	_ =	strace $0x9FFFFFFF  }
0xc3: {  	(tm) =	ssettm $0x7FFFFFFF  }
tec
execute0_lowered:
.L_overlay_start_1:
0x0: {  	(tag) =	ssettag $0x1  }
0x1: {  	s5 =	rddreg [dreg:$0x0]  }
0x2: {  	s7 =	rddreg [dreg:$0x1]  }
0x3: {  	s0 =	srdreg.scid;
	s2 =	rddreg [dreg:$0x2]  }
0x4: {  	s1 =	stileid.u32;
	s3 =	simm.s32 $0x0;
	s13 =	simm.s32 $0xC8  }
0x5: {  	s14 =	simm.s32 $0x0;
	s6 =	sand.u32 $0x1, s0;
	s0 =	rddreg [dreg:$0x3]  }
0x6: {  	s8 =	smul.u32 $0x1400, s1;
	[smem:$0x7FF] =	sst s3;
	s31 =	sshll.u32 s1, $0x6  }
0x7: {  	s4 =	sshll.u32 s6, $0x4;
	_ =	strace $0x80000047;
	s11 =	ssub.s32 $0x2, s6  }
0x8: {  	s6 =	smul.u32 $0x14000, s6;
	s4 =	sor.u32 s1, s4;
	s10 =	sshrl.u32 s8, $0x3  }
0x9: {  	s12 =	sshrl.u32 s11, $0x1;
	s29 =	sadd.s32 s8, s2;
	s9 =	smul.u32 $0x2710, s4  }
0xa: {  	s4 =	sadd.s32 $0x15800, s5;
	s10 =	sadd.s32 s10, s5;
	s26 =	ssub.s32 s11, s12  }
0xb: {  	s28 =	sadd.s32 s8, s6;
	s11 =	sor.u32 $0x1C01, s31;
	s12 =	sshrl.u32 s29, $0x3  }
0xc: {  	s6 =	sadd.s32 $0x15A00, s10;
	s30 =	sshrl.u32 s28, $0x3;
	s9 =	sshrl.u32 s9, $0x3  }
0xd: {  	s8 =	smax.u32 s26, $0x1;
	s10 =	simm.s32 $0x1;
	s5 =	sadd.s32 s5, s9  }
0xe: {  	s7 =	sadd.s32 s7, s30;
	s9 =	simm.s32 $0x2710;
	s5 =	sadd.s32 $0xBA40, s5  }
.LBB2_1:
0xf: {  	[tilespmem:s9], [sflag:$0x1] =	stream.linear.gather [hbm4b:s4+s3], $0x640, $0x38;
	[tilespmem:$0x4150] =	vst v63  }
0x10: {  	_ =	swait.ge [sflag:s10], $0x640  }
0x11: {  	[sflag:s10] =	ssyncset.done $0x0  }
0x12: {  	[sflag:s10] =	ssyncadd.s32 $0xFFFFF9C0  }
0x13: {  	[tilespmem:s3], [sflag:$0x1] =	stream.linear.gather [hbm4b:s5+s3], $0x2710, $0x38;
	[tilespmem:$0x4150] =	vst v63  }
0x14: {  	_ =	swait.ge [sflag:s10], $0x2710  }
0x15: {  	[sflag:s10] =	ssyncset.done $0x0  }
0x16: {  	[sflag:s10] =	ssyncadd.s32 $0xFFFFD8F0  }
0x17: {  	[spmem:s12], [sflag:s11] =	dma.local [hbm:s6], $0x280  }
0x18: {  	_ =	swait.ge [sflag:s10], $0x280  }
0x19: {  	[sflag:s10] =	ssyncset.done $0x0  }
0x1a: {  	[sflag:s10] =	ssyncadd.s32 $0xFFFFFD80  }
0x1b: {  	s15 =	simm.s32 $0x0;
	[bflag:$0x0] =	sbarrier.arrive $0xFFFF  }
0x1c: {  	[spmem:s2] =	stream.indirect.scatter.add.f32 [tilespmem:s9], [sflag:$0x1], $0x8, s15, s13, $0xb8;
	[tilespmem:$0x4150] =	vst v63  }
0x1d: {  	_ =	swait.ge [sflag:s10], $0x640  }
0x1e: {  	s15 =	simm.s32 $0x320;
	[sflag:s10] =	ssyncset.done $0x0  }
.LBB2_2:
0x1f: {  	s16 =	sshra.s32 s15, $0x2;
	[sflag:s10] =	ssyncadd.s32 $0xFFFFF9C0;
	p0 =	sne.s32 s15, $0x9920  }
0x20: {  	[spmem:s2] =	stream.indirect.scatter.add.f32 [tilespmem:s9], [sflag:$0x1], $0x8, s16, s13, $0xb8;
	[tilespmem:$0x4150] =	vst v63  }
.Ltmp0:
0x21: {  	_ = 	snop;
	(pc) =	sbr.rel @p0 .LBB2_2-.Ltmp0, $4  }
0x22: {  	_ = 	snop  }
0x23: {  	s15 =	sadd.s32 $0x320, s15  }
0x24: {  	_ =	swait.ge [sflag:s10], $0x640  }
0x25: {  	[sflag:s10] =	ssyncset.done $0x0  }
0x26: {  	s14 =	sadd.s32 $0x1, s14  }
0x27: {  	[sflag:s10] =	ssyncadd.s32 $0xFFFFF9C0;
	p0 =	sne.s32 s14, s8  }
.Ltmp1:
0x28: {  	[bflag:$0x0] =	sbarrier.arrive $0xFFFF;
	(pc) =	sbr.rel @p0 .LBB2_1-.Ltmp1, $4  }
0x29: {  	[hbm:s7], [sflag:s11] =	dma.local [spmem:s12], $0x280  }
0x2a: {  	_ =	swait.ge [sflag:s10], $0x280  }
0x2b: {  	[sflag:s10] =	ssyncset.done $0x0  }
0x2c: {  	[sflag:s10] =	ssyncadd.s32 $0xFFFFFD80  }
0x2d: {  	_ =	sfence.sel $0x180000  }
0x2e: {  	[bflag:$0x0] =	sbarrier.arrive $0xFFFF  }
0x2f: {  	p0 =	sne.s32 s1, $0x0;
	_ =	strace $0x90000047  }
0x30: {  	s0 =	sadd.s32 @!p0 $0x100000, s0;
	[bflag:$0x2] =	sbarrier.arrive $0xFFFF  }
0x31: {  	[sflag:s0] =	ssyncadd.tile.s32 @!p0 $0x1;
	_ =	shalt  }
.Lfunc_end2:
_tile_overlayer_lowered:
.L_overlay_start_2:
0x32: {  	(tag) =	ssettag $0x2  }
0x33: {  	s0 =	rddreg [dreg:$0x0];
	s2 =	stileid.u32  }
0x34: {  	s1 =	rddreg [dreg:$0x1];
	p0 =	sne.s32 s2, $0x0  }
0x35: {  	s3 =	rddreg [dreg:$0x2];
	[bflag:$0x3] =	sbarrier.arrive $0xFFFF;
	s2 =	simm.s32 @!p0 $0x1C01  }
0x36: {  	[timem:s3], [sflag:s2] =	dma.local @!p0 [hbm:s0], s1  }
0x37: {  	s0 =	simm.s32 @!p0 $0x1  }
0x38: {  	_ =	swait.ge @!p0 [sflag:s0], s1  }
0x39: {  	s1 =	ssub.s32 @!p0 $0x0, s1;
	[sflag:s0] =	ssyncset.done @!p0 $0x0  }
0x3a: {  	[sflag:s0] =	ssyncadd.s32 @!p0 s1  }
0x3b: {  	[bflag:$0x3] =	sbarrier.arrive $0xFFFF  }
0x3c: {  	_ =	shalt  }

</sc_bundles>
